<compile_context>
chip_gen: v7x
topology: tpu7x:2x2x1
jax: 0.10.2.dev20260603
libtpu: 0.0.44.dev20260713+nightly
codegen_flags: <defaults>
</compile_context>

<pallas_src>
import functools

import jax
import jax.numpy as jnp
from jax import lax
from jax.experimental import pallas as pl
from jax.experimental.pallas import tpu as pltpu
from jax.experimental.pallas import tpu_sc as plsc

N = 4096
K = 8192
BN = 256
NB = N // BN

NC = 2
NS = 16
NW = NC * NS
QPW = N // NW
L = 16


def _argmin_body(q_ref, rt_ref, idx_ref):
    qx = q_ref[:, 0:1]
    qy = q_ref[:, 1:2]
    rx = rt_ref[0:1, :]
    ry = rt_ref[1:2, :]
    dx = rx - qx
    dy = ry - qy
    d2 = dx * dx + dy * dy

    m = jnp.min(d2, axis=1, keepdims=True)
    fiota = jax.lax.broadcasted_iota(jnp.int32, (BN, K), 1).astype(jnp.float32)
    fidx = jnp.min(jnp.where(d2 <= m, fiota, float(K)), axis=1, keepdims=True)
    idx_ref[...] = fidx.astype(jnp.int32)


def _sc_gather_body(idx_hbm, dall_hbm,
                    d2_out, b_out,
                    idx_v, dp_v, b_v, nw_v, d2_v, gb_v, s0, s1, s2, s3):
    wid = lax.axis_index("s") * NC + lax.axis_index("c")
    base = wid * QPW
    c0 = pltpu.async_copy(idx_hbm.at[pl.ds(base, QPW)], idx_v, s0)
    c1 = pltpu.async_copy(dall_hbm.at[pl.ds(0, 2 * K)], dp_v, s1)
    c2 = pltpu.async_copy(dall_hbm.at[pl.ds(2 * K, K)], b_v, s2)
    c3 = pltpu.async_copy(
        dall_hbm.at[pl.ds(3 * K + 2 * base, 2 * QPW)], nw_v, s3)
    c0.wait()
    c1.wait()
    c2.wait()
    c3.wait()
    li = lax.iota(jnp.int32, L)
    for j in range(QPW // L):
        sl = pl.ds(j * L, L)
        iv = idx_v[sl]
        iv2 = iv * 2
        gx = plsc.load_gather(dp_v, [iv2])
        gy = plsc.load_gather(dp_v, [iv2 + 1])
        gb = plsc.load_gather(b_v, [iv])
        nl = li * 2 + (2 * L) * j
        nx = plsc.load_gather(nw_v, [nl])
        ny = plsc.load_gather(nw_v, [nl + 1])
        dx = nx - gx
        dy = ny - gy
        d2_v[sl] = dx * dx + dy * dy
        gb_v[sl] = gb
    pltpu.sync_copy(d2_v, d2_out.at[wid])
    pltpu.sync_copy(gb_v, b_out.at[wid])


def _reduce_body(d2_ref, b_ref, out_ref):
    pp = jnp.sqrt(d2_ref[...])
    b = b_ref[...]
    out_ref[0, 0] = jnp.sum(pp * b) / jnp.sum(b)


@jax.jit
def _track_loss(q, rt, dall):
    idx2d = pl.pallas_call(
        _argmin_body,
        grid=(NB,),
        in_specs=[
            pl.BlockSpec((BN, 2), lambda nb: (nb, 0)),
            pl.BlockSpec((2, K), lambda nb: (0, 0)),
        ],
        out_specs=pl.BlockSpec((BN, 1), lambda nb: (nb, 0)),
        out_shape=jax.ShapeDtypeStruct((N, 1), jnp.int32),
        compiler_params=pltpu.CompilerParams(
            dimension_semantics=("arbitrary",),
        ),
    )(q, rt)
    idx = idx2d.reshape(N)

    sc_gather = functools.partial(
        pl.kernel,
        out_type=(
            jax.ShapeDtypeStruct((NW, QPW), jnp.float32),
            jax.ShapeDtypeStruct((NW, QPW), jnp.float32),
        ),
        mesh=plsc.VectorSubcoreMesh(core_axis_name="c", subcore_axis_name="s"),
        compiler_params=pltpu.CompilerParams(needs_layout_passes=False),
        scratch_types=[
            pltpu.VMEM((QPW,), jnp.int32),
            pltpu.VMEM((2 * K,), jnp.float32),
            pltpu.VMEM((K,), jnp.float32),
            pltpu.VMEM((2 * QPW,), jnp.float32),
            pltpu.VMEM((QPW,), jnp.float32),
            pltpu.VMEM((QPW,), jnp.float32),
            pltpu.SemaphoreType.DMA,
            pltpu.SemaphoreType.DMA,
            pltpu.SemaphoreType.DMA,
            pltpu.SemaphoreType.DMA,
        ],
    )(_sc_gather_body)
    d2g, bg = sc_gather(idx, dall)

    out = pl.pallas_call(
        _reduce_body,
        out_specs=pl.BlockSpec(memory_space=pltpu.SMEM),
        out_shape=jax.ShapeDtypeStruct((1, 1), jnp.float32),
    )(d2g, bg)
    return out[0, 0]


def kernel(flat_origin_curves, flat_new_curves, dict_points, dict_ref, dict_bool):
    dall = jnp.concatenate([
        dict_points.reshape(2 * K),
        dict_bool.astype(jnp.float32),
        flat_new_curves.reshape(2 * N),
    ])
    return _track_loss(flat_origin_curves, dict_ref.T, dall)

# --- scband reference (transcript-rebuilt; emitter-appended) ---
"""Pipeline reference for scband-track-loss-40166534152765 (READ-ONLY COPY).

The authoritative reference and input builder live on the scoring server;
editing this copy changes nothing except your own understanding.
"""

import jax, jax.numpy as jnp
import numpy as np


def setup_inputs(seed: int = 0) -> dict:
    key = jax.random.key(seed)
    k1, k2, k3, k4, k5 = jax.random.split(key, 5)
    flat_origin_curves = jax.random.normal(k1, (4096, 2), dtype=jnp.float32)
    flat_new_curves = jax.random.normal(k2, (4096, 2), dtype=jnp.float32)
    dict_points = jax.random.normal(k3, (8192, 2), dtype=jnp.float32)
    dict_ref = jax.random.normal(k4, (8192, 2), dtype=jnp.float32)
    dict_bool = jax.random.randint(k5, (8192,), 0, 2) > 0
    return {
        "flat_origin_curves": flat_origin_curves,
        "flat_new_curves": flat_new_curves,
        "dict_points": dict_points,
        "dict_ref": dict_ref,
        "dict_bool": dict_bool,
    }


def reference(flat_origin_curves, flat_new_curves, dict_points, dict_ref, dict_bool):
    # distances: [N, K] pairwise L2 between origin curve points and dict_pred[2]
    diff = dict_ref[None, :, :] - flat_origin_curves[:, None, :]
    distances = jnp.linalg.norm(diff, axis=2)
    # 1-NN retrieval: argmin over dictionary axis
    closest_indices = jnp.argmin(distances, axis=1)
    # gather bool validity flags (dict_pred[1]) and matched points (dict_pred[0])
    closest_bool = jnp.take(dict_bool, closest_indices, axis=0)
    closest_points = jnp.take(dict_points, closest_indices, axis=0)
    # per-point L2 loss on new curve points vs matched dict points
    per_point = jnp.linalg.norm(flat_new_curves - closest_points, axis=1)
    # masked mean == mean over filtered (bool-indexed) subset in the torch code
    mask = closest_bool.astype(jnp.float32)
    track_loss = jnp.sum(per_point * mask) / jnp.sum(mask)
    return track_loss

if __name__ == "__main__":
    import jax
    _d = setup_inputs()
    print(jax.jit(kernel)(*tuple(_d.values())))

</pallas_src>

<mosaic_0001>
#map = affine_map<(d0, d1) -> (0)>
#map1 = affine_map<(d0, d1) -> (0, 0)>
module attributes {stable_mosaic.version = 14 : i64} {
  func.func @_sc_gather_body(%arg0: i32, %arg1: i32, %arg2: memref<4096xi32, #tpu.memory_space<hbm>>, %arg3: memref<32768xf32, #tpu.memory_space<hbm>>, %arg4: memref<32x128xf32, #tpu.memory_space<hbm>>, %arg5: memref<32x128xf32, #tpu.memory_space<hbm>>, %arg6: memref<128xi32, #tpu.memory_space<vmem>>, %arg7: memref<16384xf32, #tpu.memory_space<vmem>>, %arg8: memref<8192xf32, #tpu.memory_space<vmem>>, %arg9: memref<256xf32, #tpu.memory_space<vmem>>, %arg10: memref<128xf32, #tpu.memory_space<vmem>>, %arg11: memref<128xf32, #tpu.memory_space<vmem>>, %arg12: memref<!tpu.dma_semaphore, #tpu.memory_space<semaphore_mem>>, %arg13: memref<!tpu.dma_semaphore, #tpu.memory_space<semaphore_mem>>, %arg14: memref<!tpu.dma_semaphore, #tpu.memory_space<semaphore_mem>>, %arg15: memref<!tpu.dma_semaphore, #tpu.memory_space<semaphore_mem>>) attributes {dimension_semantics = [#tpu.dimension_semantics<core_parallel>, #tpu.dimension_semantics<subcore_parallel>], iteration_bounds = array<i64: 2, 16>, scalar_prefetch = 0 : i64, scratch_operands = 10 : i64, tpu.core_type = #tpu.core_type<sc_vector_subcore>, window_params = [{transform_indices = #map}, {transform_indices = #map}, {transform_indices = #map1}, {transform_indices = #map1}]} {
    %mul3A = arith.constant 2 : i32
    %mul3A_0 = arith.muli %arg1, %mul3A : i32
    %add3A = arith.addi %mul3A_0, %arg0 : i32
    %mul3A_1 = arith.constant 128 : i32
    %mul3A_2 = arith.muli %add3A, %mul3A_1 : i32
    %dma_start3A = tpu.memref_slice %arg2[%mul3A_2] : memref<4096xi32, #tpu.memory_space<hbm>> -> memref<128xi32, #tpu.memory_space<hbm>>
    %dma_start3A_3 = tpu.memref_slice %arg2[%mul3A_2] : memref<4096xi32, #tpu.memory_space<hbm>> -> memref<128xi32, #tpu.memory_space<hbm>>
    tpu.enqueue_dma source(%dma_start3A_3 : memref<128xi32, #tpu.memory_space<hbm>>) target(%arg6 : memref<128xi32, #tpu.memory_space<vmem>>) target_semaphore(%arg12 : memref<!tpu.dma_semaphore, #tpu.memory_space<semaphore_mem>>)
    %dma_start3A_4 = arith.constant 0 : i32
    %dma_start3A_5 = tpu.memref_slice %arg3[%dma_start3A_4] : memref<32768xf32, #tpu.memory_space<hbm>> -> memref<16384xf32, #tpu.memory_space<hbm>>
    %dma_start3A_6 = arith.constant 0 : i32
    %dma_start3A_7 = tpu.memref_slice %arg3[%dma_start3A_6] : memref<32768xf32, #tpu.memory_space<hbm>> -> memref<16384xf32, #tpu.memory_space<hbm>>
    tpu.enqueue_dma source(%dma_start3A_7 : memref<16384xf32, #tpu.memory_space<hbm>>) target(%arg7 : memref<16384xf32, #tpu.memory_space<vmem>>) target_semaphore(%arg13 : memref<!tpu.dma_semaphore, #tpu.memory_space<semaphore_mem>>)
    %dma_start3A_8 = arith.constant 16384 : i32
    %dma_start3A_9 = tpu.memref_slice %arg3[%dma_start3A_8] : memref<32768xf32, #tpu.memory_space<hbm>> -> memref<8192xf32, #tpu.memory_space<hbm>>
    %dma_start3A_10 = arith.constant 16384 : i32
    %dma_start3A_11 = tpu.memref_slice %arg3[%dma_start3A_10] : memref<32768xf32, #tpu.memory_space<hbm>> -> memref<8192xf32, #tpu.memory_space<hbm>>
    tpu.enqueue_dma source(%dma_start3A_11 : memref<8192xf32, #tpu.memory_space<hbm>>) target(%arg8 : memref<8192xf32, #tpu.memory_space<vmem>>) target_semaphore(%arg14 : memref<!tpu.dma_semaphore, #tpu.memory_space<semaphore_mem>>)
    %mul3A_12 = arith.constant 2 : i32
    %mul3A_13 = arith.muli %mul3A_12, %mul3A_2 : i32
    %add3A_14 = arith.constant 24576 : i32
    %add3A_15 = arith.addi %add3A_14, %mul3A_13 : i32
    %dma_start3A_16 = tpu.memref_slice %arg3[%add3A_15] : memref<32768xf32, #tpu.memory_space<hbm>> -> memref<256xf32, #tpu.memory_space<hbm>>
    %dma_start3A_17 = tpu.memref_slice %arg3[%add3A_15] : memref<32768xf32, #tpu.memory_space<hbm>> -> memref<256xf32, #tpu.memory_space<hbm>>
    tpu.enqueue_dma source(%dma_start3A_17 : memref<256xf32, #tpu.memory_space<hbm>>) target(%arg9 : memref<256xf32, #tpu.memory_space<vmem>>) target_semaphore(%arg15 : memref<!tpu.dma_semaphore, #tpu.memory_space<semaphore_mem>>)
    %dma_wait3A = tpu.memref_slice %arg2[%mul3A_2] : memref<4096xi32, #tpu.memory_space<hbm>> -> memref<128xi32, #tpu.memory_space<hbm>>
    %dma_wait3A_18 = tpu.memref_slice %arg2[%mul3A_2] : memref<4096xi32, #tpu.memory_space<hbm>> -> memref<128xi32, #tpu.memory_space<hbm>>
    tpu.wait_dma2 semaphore(%arg12 : memref<!tpu.dma_semaphore, #tpu.memory_space<semaphore_mem>>) src(%dma_wait3A_18 : memref<128xi32, #tpu.memory_space<hbm>>) dst(%arg6 : memref<128xi32, #tpu.memory_space<vmem>>)
    %dma_wait3A_19 = arith.constant 0 : i32
    %dma_wait3A_20 = tpu.memref_slice %arg3[%dma_wait3A_19] : memref<32768xf32, #tpu.memory_space<hbm>> -> memref<16384xf32, #tpu.memory_space<hbm>>
    %dma_wait3A_21 = arith.constant 0 : i32
    %dma_wait3A_22 = tpu.memref_slice %arg3[%dma_wait3A_21] : memref<32768xf32, #tpu.memory_space<hbm>> -> memref<16384xf32, #tpu.memory_space<hbm>>
    tpu.wait_dma2 semaphore(%arg13 : memref<!tpu.dma_semaphore, #tpu.memory_space<semaphore_mem>>) src(%dma_wait3A_22 : memref<16384xf32, #tpu.memory_space<hbm>>) dst(%arg7 : memref<16384xf32, #tpu.memory_space<vmem>>)
    %dma_wait3A_23 = arith.constant 16384 : i32
    %dma_wait3A_24 = tpu.memref_slice %arg3[%dma_wait3A_23] : memref<32768xf32, #tpu.memory_space<hbm>> -> memref<8192xf32, #tpu.memory_space<hbm>>
    %dma_wait3A_25 = arith.constant 16384 : i32
    %dma_wait3A_26 = tpu.memref_slice %arg3[%dma_wait3A_25] : memref<32768xf32, #tpu.memory_space<hbm>> -> memref<8192xf32, #tpu.memory_space<hbm>>
    tpu.wait_dma2 semaphore(%arg14 : memref<!tpu.dma_semaphore, #tpu.memory_space<semaphore_mem>>) src(%dma_wait3A_26 : memref<8192xf32, #tpu.memory_space<hbm>>) dst(%arg8 : memref<8192xf32, #tpu.memory_space<vmem>>)
    %dma_wait3A_27 = tpu.memref_slice %arg3[%add3A_15] : memref<32768xf32, #tpu.memory_space<hbm>> -> memref<256xf32, #tpu.memory_space<hbm>>
    %dma_wait3A_28 = tpu.memref_slice %arg3[%add3A_15] : memref<32768xf32, #tpu.memory_space<hbm>> -> memref<256xf32, #tpu.memory_space<hbm>>
    tpu.wait_dma2 semaphore(%arg15 : memref<!tpu.dma_semaphore, #tpu.memory_space<semaphore_mem>>) src(%dma_wait3A_28 : memref<256xf32, #tpu.memory_space<hbm>>) dst(%arg9 : memref<256xf32, #tpu.memory_space<vmem>>)
    %iota3A = tpu.iota {dimensions = array<i32: 0>} : vector<16xi32>
    %get3A = arith.constant 0 : index
    %get3A_29 = tpu.vector_load %arg6[%get3A] {strides = array<i32>} : memref<128xi32, #tpu.memory_space<vmem>>, vector<16xi32>,
    %mul3A_30 = arith.constant 2 : i32
    %mul3A_31 = vector.broadcast %mul3A_30 : i32 to vector<16xi32>
    %mul3A_32 = arith.muli %get3A_29, %mul3A_31 : vector<16xi32>
    %gather3A = tpu.vector_load_idx %arg7[%mul3A_32] : memref<16384xf32, #tpu.memory_space<vmem>>[vector<16xi32>], vector<16xf32>,
    %add3A_33 = arith.constant 1 : i32
    %add3A_34 = vector.broadcast %add3A_33 : i32 to vector<16xi32>
    %add3A_35 = arith.addi %mul3A_32, %add3A_34 : vector<16xi32>
    %gather3A_36 = tpu.vector_load_idx %arg7[%add3A_35] : memref<16384xf32, #tpu.memory_space<vmem>>[vector<16xi32>], vector<16xf32>,
    %gather3A_37 = tpu.vector_load_idx %arg8[%get3A_29] : memref<8192xf32, #tpu.memory_space<vmem>>[vector<16xi32>], vector<16xf32>,
    %mul3A_38 = arith.constant 2 : i32
    %mul3A_39 = vector.broadcast %mul3A_38 : i32 to vector<16xi32>
    %mul3A_40 = arith.muli %iota3A, %mul3A_39 : vector<16xi32>
    %add3A_41 = arith.constant 0 : i32
    %add3A_42 = vector.broadcast %add3A_41 : i32 to vector<16xi32>
    %add3A_43 = arith.addi %mul3A_40, %add3A_42 : vector<16xi32>
    %gather3A_44 = tpu.vector_load_idx %arg9[%add3A_43] : memref<256xf32, #tpu.memory_space<vmem>>[vector<16xi32>], vector<16xf32>,
    %add3A_45 = arith.constant 1 : i32
    %add3A_46 = vector.broadcast %add3A_45 : i32 to vector<16xi32>
    %add3A_47 = arith.addi %add3A_43, %add3A_46 : vector<16xi32>
    %gather3A_48 = tpu.vector_load_idx %arg9[%add3A_47] : memref<256xf32, #tpu.memory_space<vmem>>[vector<16xi32>], vector<16xf32>,
    %sub3A = arith.subf %gather3A_44, %gather3A : vector<16xf32>
    %sub3A_49 = arith.subf %gather3A_48, %gather3A_36 : vector<16xf32>
    %mul3A_50 = arith.mulf %sub3A, %sub3A : vector<16xf32>
    %mul3A_51 = arith.mulf %sub3A_49, %sub3A_49 : vector<16xf32>
    %add3A_52 = arith.addf %mul3A_50, %mul3A_51 : vector<16xf32>
    %swap3A = arith.constant 0 : index
    %swap3A_53 = tpu.vector_load %arg10[%swap3A] {strides = array<i32>} : memref<128xf32, #tpu.memory_space<vmem>>, vector<16xf32>,
    tpu.vector_store %arg10[%swap3A], %add3A_52 {strides = array<i32>} : memref<128xf32, #tpu.memory_space<vmem>>, vector<16xf32>,
    %swap3A_54 = arith.constant 0 : index
    %swap3A_55 = tpu.vector_load %arg11[%swap3A_54] {strides = array<i32>} : memref<128xf32, #tpu.memory_space<vmem>>, vector<16xf32>,
    tpu.vector_store %arg11[%swap3A_54], %gather3A_37 {strides = array<i32>} : memref<128xf32, #tpu.memory_space<vmem>>, vector<16xf32>,
    %get3A_56 = arith.constant 16 : index
    %get3A_57 = tpu.vector_load %arg6[%get3A_56] {strides = array<i32>} : memref<128xi32, #tpu.memory_space<vmem>>, vector<16xi32>,
    %mul3A_58 = arith.constant 2 : i32
    %mul3A_59 = vector.broadcast %mul3A_58 : i32 to vector<16xi32>
    %mul3A_60 = arith.muli %get3A_57, %mul3A_59 : vector<16xi32>
    %gather3A_61 = tpu.vector_load_idx %arg7[%mul3A_60] : memref<16384xf32, #tpu.memory_space<vmem>>[vector<16xi32>], vector<16xf32>,
    %add3A_62 = arith.constant 1 : i32
    %add3A_63 = vector.broadcast %add3A_62 : i32 to vector<16xi32>
    %add3A_64 = arith.addi %mul3A_60, %add3A_63 : vector<16xi32>
    %gather3A_65 = tpu.vector_load_idx %arg7[%add3A_64] : memref<16384xf32, #tpu.memory_space<vmem>>[vector<16xi32>], vector<16xf32>,
    %gather3A_66 = tpu.vector_load_idx %arg8[%get3A_57] : memref<8192xf32, #tpu.memory_space<vmem>>[vector<16xi32>], vector<16xf32>,
    %mul3A_67 = arith.constant 2 : i32
    %mul3A_68 = vector.broadcast %mul3A_67 : i32 to vector<16xi32>
    %mul3A_69 = arith.muli %iota3A, %mul3A_68 : vector<16xi32>
    %add3A_70 = arith.constant 32 : i32
    %add3A_71 = vector.broadcast %add3A_70 : i32 to vector<16xi32>
    %add3A_72 = arith.addi %mul3A_69, %add3A_71 : vector<16xi32>
    %gather3A_73 = tpu.vector_load_idx %arg9[%add3A_72] : memref<256xf32, #tpu.memory_space<vmem>>[vector<16xi32>], vector<16xf32>,
    %add3A_74 = arith.constant 1 : i32
    %add3A_75 = vector.broadcast %add3A_74 : i32 to vector<16xi32>
    %add3A_76 = arith.addi %add3A_72, %add3A_75 : vector<16xi32>
    %gather3A_77 = tpu.vector_load_idx %arg9[%add3A_76] : memref<256xf32, #tpu.memory_space<vmem>>[vector<16xi32>], vector<16xf32>,
    %sub3A_78 = arith.subf %gather3A_73, %gather3A_61 : vector<16xf32>
    %sub3A_79 = arith.subf %gather3A_77, %gather3A_65 : vector<16xf32>
    %mul3A_80 = arith.mulf %sub3A_78, %sub3A_78 : vector<16xf32>
    %mul3A_81 = arith.mulf %sub3A_79, %sub3A_79 : vector<16xf32>
    %add3A_82 = arith.addf %mul3A_80, %mul3A_81 : vector<16xf32>
    %swap3A_83 = arith.constant 16 : index
    %swap3A_84 = tpu.vector_load %arg10[%swap3A_83] {strides = array<i32>} : memref<128xf32, #tpu.memory_space<vmem>>, vector<16xf32>,
    tpu.vector_store %arg10[%swap3A_83], %add3A_82 {strides = array<i32>} : memref<128xf32, #tpu.memory_space<vmem>>, vector<16xf32>,
    %swap3A_85 = arith.constant 16 : index
    %swap3A_86 = tpu.vector_load %arg11[%swap3A_85] {strides = array<i32>} : memref<128xf32, #tpu.memory_space<vmem>>, vector<16xf32>,
    tpu.vector_store %arg11[%swap3A_85], %gather3A_66 {strides = array<i32>} : memref<128xf32, #tpu.memory_space<vmem>>, vector<16xf32>,
    %get3A_87 = arith.constant 32 : index
    %get3A_88 = tpu.vector_load %arg6[%get3A_87] {strides = array<i32>} : memref<128xi32, #tpu.memory_space<vmem>>, vector<16xi32>,
    %mul3A_89 = arith.constant 2 : i32
    %mul3A_90 = vector.broadcast %mul3A_89 : i32 to vector<16xi32>
    %mul3A_91 = arith.muli %get3A_88, %mul3A_90 : vector<16xi32>
    %gather3A_92 = tpu.vector_load_idx %arg7[%mul3A_91] : memref<16384xf32, #tpu.memory_space<vmem>>[vector<16xi32>], vector<16xf32>,
    %add3A_93 = arith.constant 1 : i32
    %add3A_94 = vector.broadcast %add3A_93 : i32 to vector<16xi32>
    %add3A_95 = arith.addi %mul3A_91, %add3A_94 : vector<16xi32>
    %gather3A_96 = tpu.vector_load_idx %arg7[%add3A_95] : memref<16384xf32, #tpu.memory_space<vmem>>[vector<16xi32>], vector<16xf32>,
    %gather3A_97 = tpu.vector_load_idx %arg8[%get3A_88] : memref<8192xf32, #tpu.memory_space<vmem>>[vector<16xi32>], vector<16xf32>,
    %mul3A_98 = arith.constant 2 : i32
    %mul3A_99 = vector.broadcast %mul3A_98 : i32 to vector<16xi32>
    %mul3A_100 = arith.muli %iota3A, %mul3A_99 : vector<16xi32>
    %add3A_101 = arith.constant 64 : i32
    %add3A_102 = vector.broadcast %add3A_101 : i32 to vector<16xi32>
    %add3A_103 = arith.addi %mul3A_100, %add3A_102 : vector<16xi32>
    %gather3A_104 = tpu.vector_load_idx %arg9[%add3A_103] : memref<256xf32, #tpu.memory_space<vmem>>[vector<16xi32>], vector<16xf32>,
    %add3A_105 = arith.constant 1 : i32
    %add3A_106 = vector.broadcast %add3A_105 : i32 to vector<16xi32>
    %add3A_107 = arith.addi %add3A_103, %add3A_106 : vector<16xi32>
    %gather3A_108 = tpu.vector_load_idx %arg9[%add3A_107] : memref<256xf32, #tpu.memory_space<vmem>>[vector<16xi32>], vector<16xf32>,
    %sub3A_109 = arith.subf %gather3A_104, %gather3A_92 : vector<16xf32>
    %sub3A_110 = arith.subf %gather3A_108, %gather3A_96 : vector<16xf32>
    %mul3A_111 = arith.mulf %sub3A_109, %sub3A_109 : vector<16xf32>
    %mul3A_112 = arith.mulf %sub3A_110, %sub3A_110 : vector<16xf32>
    %add3A_113 = arith.addf %mul3A_111, %mul3A_112 : vector<16xf32>
    %swap3A_114 = arith.constant 32 : index
    %swap3A_115 = tpu.vector_load %arg10[%swap3A_114] {strides = array<i32>} : memref<128xf32, #tpu.memory_space<vmem>>, vector<16xf32>,
    tpu.vector_store %arg10[%swap3A_114], %add3A_113 {strides = array<i32>} : memref<128xf32, #tpu.memory_space<vmem>>, vector<16xf32>,
    %swap3A_116 = arith.constant 32 : index
    %swap3A_117 = tpu.vector_load %arg11[%swap3A_116] {strides = array<i32>} : memref<128xf32, #tpu.memory_space<vmem>>, vector<16xf32>,
    tpu.vector_store %arg11[%swap3A_116], %gather3A_97 {strides = array<i32>} : memref<128xf32, #tpu.memory_space<vmem>>, vector<16xf32>,
    %get3A_118 = arith.constant 48 : index
    %get3A_119 = tpu.vector_load %arg6[%get3A_118] {strides = array<i32>} : memref<128xi32, #tpu.memory_space<vmem>>, vector<16xi32>,
    %mul3A_120 = arith.constant 2 : i32
    %mul3A_121 = vector.broadcast %mul3A_120 : i32 to vector<16xi32>
    %mul3A_122 = arith.muli %get3A_119, %mul3A_121 : vector<16xi32>
    %gather3A_123 = tpu.vector_load_idx %arg7[%mul3A_122] : memref<16384xf32, #tpu.memory_space<vmem>>[vector<16xi32>], vector<16xf32>,
    %add3A_124 = arith.constant 1 : i32
    %add3A_125 = vector.broadcast %add3A_124 : i32 to vector<16xi32>
    %add3A_126 = arith.addi %mul3A_122, %add3A_125 : vector<16xi32>
    %gather3A_127 = tpu.vector_load_idx %arg7[%add3A_126] : memref<16384xf32, #tpu.memory_space<vmem>>[vector<16xi32>], vector<16xf32>,
    %gather3A_128 = tpu.vector_load_idx %arg8[%get3A_119] : memref<8192xf32, #tpu.memory_space<vmem>>[vector<16xi32>], vector<16xf32>,
    %mul3A_129 = arith.constant 2 : i32
    %mul3A_130 = vector.broadcast %mul3A_129 : i32 to vector<16xi32>
    %mul3A_131 = arith.muli %iota3A, %mul3A_130 : vector<16xi32>
    %add3A_132 = arith.constant 96 : i32
    %add3A_133 = vector.broadcast %add3A_132 : i32 to vector<16xi32>
    %add3A_134 = arith.addi %mul3A_131, %add3A_133 : vector<16xi32>
    %gather3A_135 = tpu.vector_load_idx %arg9[%add3A_134] : memref<256xf32, #tpu.memory_space<vmem>>[vector<16xi32>], vector<16xf32>,
    %add3A_136 = arith.constant 1 : i32
    %add3A_137 = vector.broadcast %add3A_136 : i32 to vector<16xi32>
    %add3A_138 = arith.addi %add3A_134, %add3A_137 : vector<16xi32>
    %gather3A_139 = tpu.vector_load_idx %arg9[%add3A_138] : memref<256xf32, #tpu.memory_space<vmem>>[vector<16xi32>], vector<16xf32>,
    %sub3A_140 = arith.subf %gather3A_135, %gather3A_123 : vector<16xf32>
    %sub3A_141 = arith.subf %gather3A_139, %gather3A_127 : vector<16xf32>
    %mul3A_142 = arith.mulf %sub3A_140, %sub3A_140 : vector<16xf32>
    %mul3A_143 = arith.mulf %sub3A_141, %sub3A_141 : vector<16xf32>
    %add3A_144 = arith.addf %mul3A_142, %mul3A_143 : vector<16xf32>
    %swap3A_145 = arith.constant 48 : index
    %swap3A_146 = tpu.vector_load %arg10[%swap3A_145] {strides = array<i32>} : memref<128xf32, #tpu.memory_space<vmem>>, vector<16xf32>,
    tpu.vector_store %arg10[%swap3A_145], %add3A_144 {strides = array<i32>} : memref<128xf32, #tpu.memory_space<vmem>>, vector<16xf32>,
    %swap3A_147 = arith.constant 48 : index
    %swap3A_148 = tpu.vector_load %arg11[%swap3A_147] {strides = array<i32>} : memref<128xf32, #tpu.memory_space<vmem>>, vector<16xf32>,
    tpu.vector_store %arg11[%swap3A_147], %gather3A_128 {strides = array<i32>} : memref<128xf32, #tpu.memory_space<vmem>>, vector<16xf32>,
    %get3A_149 = arith.constant 64 : index
    %get3A_150 = tpu.vector_load %arg6[%get3A_149] {strides = array<i32>} : memref<128xi32, #tpu.memory_space<vmem>>, vector<16xi32>,
    %mul3A_151 = arith.constant 2 : i32
    %mul3A_152 = vector.broadcast %mul3A_151 : i32 to vector<16xi32>
    %mul3A_153 = arith.muli %get3A_150, %mul3A_152 : vector<16xi32>
    %gather3A_154 = tpu.vector_load_idx %arg7[%mul3A_153] : memref<16384xf32, #tpu.memory_space<vmem>>[vector<16xi32>], vector<16xf32>,
    %add3A_155 = arith.constant 1 : i32
    %add3A_156 = vector.broadcast %add3A_155 : i32 to vector<16xi32>
    %add3A_157 = arith.addi %mul3A_153, %add3A_156 : vector<16xi32>
    %gather3A_158 = tpu.vector_load_idx %arg7[%add3A_157] : memref<16384xf32, #tpu.memory_space<vmem>>[vector<16xi32>], vector<16xf32>,
    %gather3A_159 = tpu.vector_load_idx %arg8[%get3A_150] : memref<8192xf32, #tpu.memory_space<vmem>>[vector<16xi32>], vector<16xf32>,
    %mul3A_160 = arith.constant 2 : i32
    %mul3A_161 = vector.broadcast %mul3A_160 : i32 to vector<16xi32>
    %mul3A_162 = arith.muli %iota3A, %mul3A_161 : vector<16xi32>
    %add3A_163 = arith.constant 128 : i32
    %add3A_164 = vector.broadcast %add3A_163 : i32 to vector<16xi32>
    %add3A_165 = arith.addi %mul3A_162, %add3A_164 : vector<16xi32>
    %gather3A_166 = tpu.vector_load_idx %arg9[%add3A_165] : memref<256xf32, #tpu.memory_space<vmem>>[vector<16xi32>], vector<16xf32>,
    %add3A_167 = arith.constant 1 : i32
    %add3A_168 = vector.broadcast %add3A_167 : i32 to vector<16xi32>
    %add3A_169 = arith.addi %add3A_165, %add3A_168 : vector<16xi32>
    %gather3A_170 = tpu.vector_load_idx %arg9[%add3A_169] : memref<256xf32, #tpu.memory_space<vmem>>[vector<16xi32>], vector<16xf32>,
    %sub3A_171 = arith.subf %gather3A_166, %gather3A_154 : vector<16xf32>
    %sub3A_172 = arith.subf %gather3A_170, %gather3A_158 : vector<16xf32>
    %mul3A_173 = arith.mulf %sub3A_171, %sub3A_171 : vector<16xf32>
    %mul3A_174 = arith.mulf %sub3A_172, %sub3A_172 : vector<16xf32>
    %add3A_175 = arith.addf %mul3A_173, %mul3A_174 : vector<16xf32>
    %swap3A_176 = arith.constant 64 : index
    %swap3A_177 = tpu.vector_load %arg10[%swap3A_176] {strides = array<i32>} : memref<128xf32, #tpu.memory_space<vmem>>, vector<16xf32>,
    tpu.vector_store %arg10[%swap3A_176], %add3A_175 {strides = array<i32>} : memref<128xf32, #tpu.memory_space<vmem>>, vector<16xf32>,
    %swap3A_178 = arith.constant 64 : index
    %swap3A_179 = tpu.vector_load %arg11[%swap3A_178] {strides = array<i32>} : memref<128xf32, #tpu.memory_space<vmem>>, vector<16xf32>,
    tpu.vector_store %arg11[%swap3A_178], %gather3A_159 {strides = array<i32>} : memref<128xf32, #tpu.memory_space<vmem>>, vector<16xf32>,
    %get3A_180 = arith.constant 80 : index
    %get3A_181 = tpu.vector_load %arg6[%get3A_180] {strides = array<i32>} : memref<128xi32, #tpu.memory_space<vmem>>, vector<16xi32>,
    %mul3A_182 = arith.constant 2 : i32
    %mul3A_183 = vector.broadcast %mul3A_182 : i32 to vector<16xi32>
    %mul3A_184 = arith.muli %get3A_181, %mul3A_183 : vector<16xi32>
    %gather3A_185 = tpu.vector_load_idx %arg7[%mul3A_184] : memref<16384xf32, #tpu.memory_space<vmem>>[vector<16xi32>], vector<16xf32>,
    %add3A_186 = arith.constant 1 : i32
    %add3A_187 = vector.broadcast %add3A_186 : i32 to vector<16xi32>
    %add3A_188 = arith.addi %mul3A_184, %add3A_187 : vector<16xi32>
    %gather3A_189 = tpu.vector_load_idx %arg7[%add3A_188] : memref<16384xf32, #tpu.memory_space<vmem>>[vector<16xi32>], vector<16xf32>,
    %gather3A_190 = tpu.vector_load_idx %arg8[%get3A_181] : memref<8192xf32, #tpu.memory_space<vmem>>[vector<16xi32>], vector<16xf32>,
    %mul3A_191 = arith.constant 2 : i32
    %mul3A_192 = vector.broadcast %mul3A_191 : i32 to vector<16xi32>
    %mul3A_193 = arith.muli %iota3A, %mul3A_192 : vector<16xi32>
    %add3A_194 = arith.constant 160 : i32
    %add3A_195 = vector.broadcast %add3A_194 : i32 to vector<16xi32>
    %add3A_196 = arith.addi %mul3A_193, %add3A_195 : vector<16xi32>
    %gather3A_197 = tpu.vector_load_idx %arg9[%add3A_196] : memref<256xf32, #tpu.memory_space<vmem>>[vector<16xi32>], vector<16xf32>,
    %add3A_198 = arith.constant 1 : i32
    %add3A_199 = vector.broadcast %add3A_198 : i32 to vector<16xi32>
    %add3A_200 = arith.addi %add3A_196, %add3A_199 : vector<16xi32>
    %gather3A_201 = tpu.vector_load_idx %arg9[%add3A_200] : memref<256xf32, #tpu.memory_space<vmem>>[vector<16xi32>], vector<16xf32>,
    %sub3A_202 = arith.subf %gather3A_197, %gather3A_185 : vector<16xf32>
    %sub3A_203 = arith.subf %gather3A_201, %gather3A_189 : vector<16xf32>
    %mul3A_204 = arith.mulf %sub3A_202, %sub3A_202 : vector<16xf32>
    %mul3A_205 = arith.mulf %sub3A_203, %sub3A_203 : vector<16xf32>
    %add3A_206 = arith.addf %mul3A_204, %mul3A_205 : vector<16xf32>
    %swap3A_207 = arith.constant 80 : index
    %swap3A_208 = tpu.vector_load %arg10[%swap3A_207] {strides = array<i32>} : memref<128xf32, #tpu.memory_space<vmem>>, vector<16xf32>,
    tpu.vector_store %arg10[%swap3A_207], %add3A_206 {strides = array<i32>} : memref<128xf32, #tpu.memory_space<vmem>>, vector<16xf32>,
    %swap3A_209 = arith.constant 80 : index
    %swap3A_210 = tpu.vector_load %arg11[%swap3A_209] {strides = array<i32>} : memref<128xf32, #tpu.memory_space<vmem>>, vector<16xf32>,
    tpu.vector_store %arg11[%swap3A_209], %gather3A_190 {strides = array<i32>} : memref<128xf32, #tpu.memory_space<vmem>>, vector<16xf32>,
    %get3A_211 = arith.constant 96 : index
    %get3A_212 = tpu.vector_load %arg6[%get3A_211] {strides = array<i32>} : memref<128xi32, #tpu.memory_space<vmem>>, vector<16xi32>,
    %mul3A_213 = arith.constant 2 : i32
    %mul3A_214 = vector.broadcast %mul3A_213 : i32 to vector<16xi32>
    %mul3A_215 = arith.muli %get3A_212, %mul3A_214 : vector<16xi32>
    %gather3A_216 = tpu.vector_load_idx %arg7[%mul3A_215] : memref<16384xf32, #tpu.memory_space<vmem>>[vector<16xi32>], vector<16xf32>,
    %add3A_217 = arith.constant 1 : i32
    %add3A_218 = vector.broadcast %add3A_217 : i32 to vector<16xi32>
    %add3A_219 = arith.addi %mul3A_215, %add3A_218 : vector<16xi32>
    %gather3A_220 = tpu.vector_load_idx %arg7[%add3A_219] : memref<16384xf32, #tpu.memory_space<vmem>>[vector<16xi32>], vector<16xf32>,
    %gather3A_221 = tpu.vector_load_idx %arg8[%get3A_212] : memref<8192xf32, #tpu.memory_space<vmem>>[vector<16xi32>], vector<16xf32>,
    %mul3A_222 = arith.constant 2 : i32
    %mul3A_223 = vector.broadcast %mul3A_222 : i32 to vector<16xi32>
    %mul3A_224 = arith.muli %iota3A, %mul3A_223 : vector<16xi32>
    %add3A_225 = arith.constant 192 : i32
    %add3A_226 = vector.broadcast %add3A_225 : i32 to vector<16xi32>
    %add3A_227 = arith.addi %mul3A_224, %add3A_226 : vector<16xi32>
    %gather3A_228 = tpu.vector_load_idx %arg9[%add3A_227] : memref<256xf32, #tpu.memory_space<vmem>>[vector<16xi32>], vector<16xf32>,
    %add3A_229 = arith.constant 1 : i32
    %add3A_230 = vector.broadcast %add3A_229 : i32 to vector<16xi32>
    %add3A_231 = arith.addi %add3A_227, %add3A_230 : vector<16xi32>
    %gather3A_232 = tpu.vector_load_idx %arg9[%add3A_231] : memref<256xf32, #tpu.memory_space<vmem>>[vector<16xi32>], vector<16xf32>,
    %sub3A_233 = arith.subf %gather3A_228, %gather3A_216 : vector<16xf32>
    %sub3A_234 = arith.subf %gather3A_232, %gather3A_220 : vector<16xf32>
    %mul3A_235 = arith.mulf %sub3A_233, %sub3A_233 : vector<16xf32>
    %mul3A_236 = arith.mulf %sub3A_234, %sub3A_234 : vector<16xf32>
    %add3A_237 = arith.addf %mul3A_235, %mul3A_236 : vector<16xf32>
    %swap3A_238 = arith.constant 96 : index
    %swap3A_239 = tpu.vector_load %arg10[%swap3A_238] {strides = array<i32>} : memref<128xf32, #tpu.memory_space<vmem>>, vector<16xf32>,
    tpu.vector_store %arg10[%swap3A_238], %add3A_237 {strides = array<i32>} : memref<128xf32, #tpu.memory_space<vmem>>, vector<16xf32>,
    %swap3A_240 = arith.constant 96 : index
    %swap3A_241 = tpu.vector_load %arg11[%swap3A_240] {strides = array<i32>} : memref<128xf32, #tpu.memory_space<vmem>>, vector<16xf32>,
    tpu.vector_store %arg11[%swap3A_240], %gather3A_221 {strides = array<i32>} : memref<128xf32, #tpu.memory_space<vmem>>, vector<16xf32>,
    %get3A_242 = arith.constant 112 : index
    %get3A_243 = tpu.vector_load %arg6[%get3A_242] {strides = array<i32>} : memref<128xi32, #tpu.memory_space<vmem>>, vector<16xi32>,
    %mul3A_244 = arith.constant 2 : i32
    %mul3A_245 = vector.broadcast %mul3A_244 : i32 to vector<16xi32>
    %mul3A_246 = arith.muli %get3A_243, %mul3A_245 : vector<16xi32>
    %gather3A_247 = tpu.vector_load_idx %arg7[%mul3A_246] : memref<16384xf32, #tpu.memory_space<vmem>>[vector<16xi32>], vector<16xf32>,
    %add3A_248 = arith.constant 1 : i32
    %add3A_249 = vector.broadcast %add3A_248 : i32 to vector<16xi32>
    %add3A_250 = arith.addi %mul3A_246, %add3A_249 : vector<16xi32>
    %gather3A_251 = tpu.vector_load_idx %arg7[%add3A_250] : memref<16384xf32, #tpu.memory_space<vmem>>[vector<16xi32>], vector<16xf32>,
    %gather3A_252 = tpu.vector_load_idx %arg8[%get3A_243] : memref<8192xf32, #tpu.memory_space<vmem>>[vector<16xi32>], vector<16xf32>,
    %mul3A_253 = arith.constant 2 : i32
    %mul3A_254 = vector.broadcast %mul3A_253 : i32 to vector<16xi32>
    %mul3A_255 = arith.muli %iota3A, %mul3A_254 : vector<16xi32>
    %add3A_256 = arith.constant 224 : i32
    %add3A_257 = vector.broadcast %add3A_256 : i32 to vector<16xi32>
    %add3A_258 = arith.addi %mul3A_255, %add3A_257 : vector<16xi32>
    %gather3A_259 = tpu.vector_load_idx %arg9[%add3A_258] : memref<256xf32, #tpu.memory_space<vmem>>[vector<16xi32>], vector<16xf32>,
    %add3A_260 = arith.constant 1 : i32
    %add3A_261 = vector.broadcast %add3A_260 : i32 to vector<16xi32>
    %add3A_262 = arith.addi %add3A_258, %add3A_261 : vector<16xi32>
    %gather3A_263 = tpu.vector_load_idx %arg9[%add3A_262] : memref<256xf32, #tpu.memory_space<vmem>>[vector<16xi32>], vector<16xf32>,
    %sub3A_264 = arith.subf %gather3A_259, %gather3A_247 : vector<16xf32>
    %sub3A_265 = arith.subf %gather3A_263, %gather3A_251 : vector<16xf32>
    %mul3A_266 = arith.mulf %sub3A_264, %sub3A_264 : vector<16xf32>
    %mul3A_267 = arith.mulf %sub3A_265, %sub3A_265 : vector<16xf32>
    %add3A_268 = arith.addf %mul3A_266, %mul3A_267 : vector<16xf32>
    %swap3A_269 = arith.constant 112 : index
    %swap3A_270 = tpu.vector_load %arg10[%swap3A_269] {strides = array<i32>} : memref<128xf32, #tpu.memory_space<vmem>>, vector<16xf32>,
    tpu.vector_store %arg10[%swap3A_269], %add3A_268 {strides = array<i32>} : memref<128xf32, #tpu.memory_space<vmem>>, vector<16xf32>,
    %swap3A_271 = arith.constant 112 : index
    %swap3A_272 = tpu.vector_load %arg11[%swap3A_271] {strides = array<i32>} : memref<128xf32, #tpu.memory_space<vmem>>, vector<16xf32>,
    tpu.vector_store %arg11[%swap3A_271], %gather3A_252 {strides = array<i32>} : memref<128xf32, #tpu.memory_space<vmem>>, vector<16xf32>,
    "tpu.region"() ({
      %run_scoped3A = tpu.sem_alloc : memref<!tpu.dma_semaphore, #tpu.memory_space<semaphore_mem>>
      %dma_start3A_273 = arith.constant 0 : i32
      %dma_start3A_274 = tpu.memref_slice %arg4[%add3A, %dma_start3A_273] : memref<32x128xf32, #tpu.memory_space<hbm>> -> memref<1x128xf32, #tpu.memory_space<hbm>>
      %dma_start3A_275 = tpu.memref_squeeze %dma_start3A_274 : memref<1x128xf32, #tpu.memory_space<hbm>> -> memref<128xf32, #tpu.memory_space<hbm>>
      %dma_start3A_276 = arith.constant 0 : i32
      %dma_start3A_277 = tpu.memref_slice %arg4[%add3A, %dma_start3A_276] : memref<32x128xf32, #tpu.memory_space<hbm>> -> memref<1x128xf32, #tpu.memory_space<hbm>>
      %dma_start3A_278 = tpu.memref_squeeze %dma_start3A_277 : memref<1x128xf32, #tpu.memory_space<hbm>> -> memref<128xf32, #tpu.memory_space<hbm>>
      tpu.enqueue_dma source(%arg10 : memref<128xf32, #tpu.memory_space<vmem>>) target(%dma_start3A_278 : memref<128xf32, #tpu.memory_space<hbm>>) target_semaphore(%run_scoped3A : memref<!tpu.dma_semaphore, #tpu.memory_space<semaphore_mem>>)
      %dma_wait3A_279 = arith.constant 0 : i32
      %dma_wait3A_280 = tpu.memref_slice %arg4[%add3A, %dma_wait3A_279] : memref<32x128xf32, #tpu.memory_space<hbm>> -> memref<1x128xf32, #tpu.memory_space<hbm>>
      %dma_wait3A_281 = tpu.memref_squeeze %dma_wait3A_280 : memref<1x128xf32, #tpu.memory_space<hbm>> -> memref<128xf32, #tpu.memory_space<hbm>>
      %dma_wait3A_282 = arith.constant 0 : i32
      %dma_wait3A_283 = tpu.memref_slice %arg4[%add3A, %dma_wait3A_282] : memref<32x128xf32, #tpu.memory_space<hbm>> -> memref<1x128xf32, #tpu.memory_space<hbm>>
      %dma_wait3A_284 = tpu.memref_squeeze %dma_wait3A_283 : memref<1x128xf32, #tpu.memory_space<hbm>> -> memref<128xf32, #tpu.memory_space<hbm>>
      tpu.wait_dma2 semaphore(%run_scoped3A : memref<!tpu.dma_semaphore, #tpu.memory_space<semaphore_mem>>) src(%arg10 : memref<128xf32, #tpu.memory_space<vmem>>) dst(%dma_wait3A_284 : memref<128xf32, #tpu.memory_space<hbm>>)
      tpu.yield
    }) : () -> ()
    "tpu.region"() ({
      %run_scoped3A = tpu.sem_alloc : memref<!tpu.dma_semaphore, #tpu.memory_space<semaphore_mem>>
      %dma_start3A_273 = arith.constant 0 : i32
      %dma_start3A_274 = tpu.memref_slice %arg5[%add3A, %dma_start3A_273] : memref<32x128xf32, #tpu.memory_space<hbm>> -> memref<1x128xf32, #tpu.memory_space<hbm>>
      %dma_start3A_275 = tpu.memref_squeeze %dma_start3A_274 : memref<1x128xf32, #tpu.memory_space<hbm>> -> memref<128xf32, #tpu.memory_space<hbm>>
      %dma_start3A_276 = arith.constant 0 : i32
      %dma_start3A_277 = tpu.memref_slice %arg5[%add3A, %dma_start3A_276] : memref<32x128xf32, #tpu.memory_space<hbm>> -> memref<1x128xf32, #tpu.memory_space<hbm>>
      %dma_start3A_278 = tpu.memref_squeeze %dma_start3A_277 : memref<1x128xf32, #tpu.memory_space<hbm>> -> memref<128xf32, #tpu.memory_space<hbm>>
      tpu.enqueue_dma source(%arg11 : memref<128xf32, #tpu.memory_space<vmem>>) target(%dma_start3A_278 : memref<128xf32, #tpu.memory_space<hbm>>) target_semaphore(%run_scoped3A : memref<!tpu.dma_semaphore, #tpu.memory_space<semaphore_mem>>)
      %dma_wait3A_279 = arith.constant 0 : i32
      %dma_wait3A_280 = tpu.memref_slice %arg5[%add3A, %dma_wait3A_279] : memref<32x128xf32, #tpu.memory_space<hbm>> -> memref<1x128xf32, #tpu.memory_space<hbm>>
      %dma_wait3A_281 = tpu.memref_squeeze %dma_wait3A_280 : memref<1x128xf32, #tpu.memory_space<hbm>> -> memref<128xf32, #tpu.memory_space<hbm>>
      %dma_wait3A_282 = arith.constant 0 : i32
      %dma_wait3A_283 = tpu.memref_slice %arg5[%add3A, %dma_wait3A_282] : memref<32x128xf32, #tpu.memory_space<hbm>> -> memref<1x128xf32, #tpu.memory_space<hbm>>
      %dma_wait3A_284 = tpu.memref_squeeze %dma_wait3A_283 : memref<1x128xf32, #tpu.memory_space<hbm>> -> memref<128xf32, #tpu.memory_space<hbm>>
      tpu.wait_dma2 semaphore(%run_scoped3A : memref<!tpu.dma_semaphore, #tpu.memory_space<semaphore_mem>>) src(%arg11 : memref<128xf32, #tpu.memory_space<vmem>>) dst(%dma_wait3A_284 : memref<128xf32, #tpu.memory_space<hbm>>)
      tpu.yield
    }) : () -> ()
    return
  }
}

module attributes {stable_mosaic.version = 14 : i64} {
  func.func @_reduce_body(%arg0: memref<32x128xf32, #tpu.memory_space<vmem>>, %arg1: memref<32x128xf32, #tpu.memory_space<vmem>>, %arg2: memref<1x1xf32, #tpu.memory_space<smem>>) attributes {dimension_semantics = [], scalar_prefetch = 0 : i64, scratch_operands = 0 : i64, tpu.core_type = #tpu.core_type<tc>} {
    %get3A = arith.constant 0 : index
    %get3A_0 = arith.constant 0 : index
    %get3A_1 = vector.load %arg0[%get3A, %get3A_0] : memref<32x128xf32, #tpu.memory_space<vmem>>, vector<32x128xf32>
    %sqrt3A = math.sqrt %get3A_1 : vector<32x128xf32>
    %get3A_2 = arith.constant 0 : index
    %get3A_3 = arith.constant 0 : index
    %get3A_4 = vector.load %arg1[%get3A_2, %get3A_3] : memref<32x128xf32, #tpu.memory_space<vmem>>, vector<32x128xf32>
    %mul3A = arith.mulf %sqrt3A, %get3A_4 : vector<32x128xf32>
    %reduce_sum3A = vector.shape_cast %mul3A : vector<32x128xf32> to vector<1x32x128xf32>
    %reduce_sum3A_5 = arith.constant dense<0.000000e+00> : vector<1xf32>
    %reduce_sum3A_6 = vector.multi_reduction <add>, %reduce_sum3A, %reduce_sum3A_5 [1, 2] : vector<1x32x128xf32> to vector<1xf32>
    %reduce_sum3A_7 = vector.shape_cast %reduce_sum3A_6 : vector<1xf32> to vector<1x1x1xf32>
    %reduce_sum3A_8 = vector.extract %reduce_sum3A_7[0, 0, 0] : f32 from vector<1x1x1xf32>
    %reduce_sum3A_9 = vector.shape_cast %get3A_4 : vector<32x128xf32> to vector<1x32x128xf32>
    %reduce_sum3A_10 = arith.constant dense<0.000000e+00> : vector<1xf32>
    %reduce_sum3A_11 = vector.multi_reduction <add>, %reduce_sum3A_9, %reduce_sum3A_10 [1, 2] : vector<1x32x128xf32> to vector<1xf32>
    %reduce_sum3A_12 = vector.shape_cast %reduce_sum3A_11 : vector<1xf32> to vector<1x1x1xf32>
    %reduce_sum3A_13 = vector.extract %reduce_sum3A_12[0, 0, 0] : f32 from vector<1x1x1xf32>
    %div3A = arith.divf %reduce_sum3A_8, %reduce_sum3A_13 : f32
    %swap3A = arith.constant 0 : index
    %swap3A_14 = arith.constant 0 : index
    %swap3A_15 = memref.load %arg2[%swap3A, %swap3A_14] : memref<1x1xf32, #tpu.memory_space<smem>>
    memref.store %div3A, %arg2[%swap3A, %swap3A_14] : memref<1x1xf32, #tpu.memory_space<smem>>
    return
  }
}

module attributes {stable_mosaic.version = 14 : i64} {
  func.func @_argmin_body(%arg0: i32, %arg1: memref<256x2xf32, #tpu.memory_space<vmem>>, %arg2: memref<2x8192xf32, #tpu.memory_space<vmem>>, %arg3: memref<256x1xi32, #tpu.memory_space<vmem>>) attributes {dimension_semantics = [#tpu.dimension_semantics<arbitrary>], iteration_bounds = array<i64: 16>, scalar_prefetch = 0 : i64, scratch_operands = 0 : i64, tpu.core_type = #tpu.core_type<tc>, window_params = [{transform_indices = @transform_0, window_bounds = array<i64: 256, 2>}, {pipeline_mode = #tpu.pipeline_mode<synchronous>, transform_indices = @transform_1, window_bounds = array<i64: 2, 8192>}, {transform_indices = @transform_2, window_bounds = array<i64: 256, 1>}]} {
    %get3A = arith.constant 0 : index
    %get3A_0 = arith.constant 0 : index
    %get3A_1 = vector.load %arg1[%get3A, %get3A_0] : memref<256x2xf32, #tpu.memory_space<vmem>>, vector<256x1xf32>
    %get3A_2 = arith.constant 0 : index
    %get3A_3 = arith.constant 1 : index
    %get3A_4 = vector.load %arg1[%get3A_2, %get3A_3] : memref<256x2xf32, #tpu.memory_space<vmem>>, vector<256x1xf32>
    %get3A_5 = arith.constant 0 : index
    %get3A_6 = arith.constant 0 : index
    %get3A_7 = vector.load %arg2[%get3A_5, %get3A_6] : memref<2x8192xf32, #tpu.memory_space<vmem>>, vector<1x8192xf32>
    %get3A_8 = arith.constant 1 : index
    %get3A_9 = arith.constant 0 : index
    %get3A_10 = vector.load %arg2[%get3A_8, %get3A_9] : memref<2x8192xf32, #tpu.memory_space<vmem>>, vector<1x8192xf32>
    %sub3A = vector.broadcast %get3A_7 : vector<1x8192xf32> to vector<256x8192xf32>
    %sub3A_11 = vector.broadcast %get3A_1 : vector<256x1xf32> to vector<256x8192xf32>
    %sub3A_12 = arith.subf %sub3A, %sub3A_11 : vector<256x8192xf32>
    %sub3A_13 = vector.broadcast %get3A_10 : vector<1x8192xf32> to vector<256x8192xf32>
    %sub3A_14 = vector.broadcast %get3A_4 : vector<256x1xf32> to vector<256x8192xf32>
    %sub3A_15 = arith.subf %sub3A_13, %sub3A_14 : vector<256x8192xf32>
    %mul3A = arith.mulf %sub3A_12, %sub3A_12 : vector<256x8192xf32>
    %mul3A_16 = arith.mulf %sub3A_15, %sub3A_15 : vector<256x8192xf32>
    %add3A = arith.addf %mul3A, %mul3A_16 : vector<256x8192xf32>
    %reduce_min3A = arith.constant dense<0x7F800000> : vector<256xf32>
    %reduce_min3A_17 = vector.multi_reduction <minimumf>, %add3A, %reduce_min3A [1] : vector<256x8192xf32> to vector<256xf32>
    %broadcast_in_dim3A = vector.shape_cast %reduce_min3A_17 : vector<256xf32> to vector<256x1xf32>
    %iota3A = tpu.iota {dimensions = array<i32: 1>} : vector<256x8192xi32>
    %convert_element_type3A = arith.sitofp %iota3A : vector<256x8192xi32> to vector<256x8192xf32>
    %le3A = vector.broadcast %broadcast_in_dim3A : vector<256x1xf32> to vector<256x8192xf32>
    %le3A_18 = arith.cmpf ole, %add3A, %le3A : vector<256x8192xf32>
    %jit3A = arith.constant 8.192000e+03 : f32
    %broadcast_in_dim3A_19 = vector.broadcast %jit3A : f32 to vector<256x8192xf32>
    %select_n3A = arith.select %le3A_18, %convert_element_type3A, %broadcast_in_dim3A_19 : vector<256x8192xi1>, vector<256x8192xf32>
    %reduce_min3A_20 = arith.constant dense<0x7F800000> : vector<256xf32>
    %reduce_min3A_21 = vector.multi_reduction <minimumf>, %select_n3A, %reduce_min3A_20 [1] : vector<256x8192xf32> to vector<256xf32>
    %broadcast_in_dim3A_22 = vector.shape_cast %reduce_min3A_21 : vector<256xf32> to vector<256x1xf32>
    %convert_element_type3A_23 = arith.fptosi %broadcast_in_dim3A_22 : vector<256x1xf32> to vector<256x1xi32>
    %swap3A = arith.constant 0 : index
    %swap3A_24 = arith.constant 0 : index
    %swap3A_25 = vector.load %arg3[%swap3A, %swap3A_24] : memref<256x1xi32, #tpu.memory_space<vmem>>, vector<256x1xi32>
    tpu.vector_store %arg3[%swap3A, %swap3A_24], %convert_element_type3A_23 {strides = array<i32>} : memref<256x1xi32, #tpu.memory_space<vmem>>, vector<256x1xi32>,
    return
  }
  func.func @transform_0(%arg0: i32) -> (i32, i32) {
    %c0_i32 = arith.constant 0 : i32
    %c0_i32_0 = arith.constant 0 : i32
    return %arg0, %c0_i32 : i32, i32
  }
  func.func @transform_1(%arg0: i32) -> (i32, i32) {
    %c0_i32 = arith.constant 0 : i32
    %c0_i32_0 = arith.constant 0 : i32
    %c0_i32_1 = arith.constant 0 : i32
    return %c0_i32, %c0_i32_0 : i32, i32
  }
  func.func @transform_2(%arg0: i32) -> (i32, i32) {
    %c0_i32 = arith.constant 0 : i32
    %c0_i32_0 = arith.constant 0 : i32
    return %arg0, %c0_i32 : i32, i32
  }
}

</mosaic_0001>

<sc_bundles>
// kernel: _track_loss.5.cloned.1.call-start
scs
__scs_entry_jumppad:
0x0: {  	(pc) =	sbr.rel $0x88, $3  }
0x1: {  	(tag) =	ssettag $0x0;
	lr =	simm.s32 $0x1  }
0x2: {  	[smem:$0x3F9E] =	sst lr;
	_ =	strace $0xD0000000  }
0x3: {  	_ = 	snop  }
0x4: {  	_ = 	snop  }
0x5: {  	_ = 	snop  }
0x6: {  	_ = 	snop  }
0x7: {  	_ = 	snop  }
__scs_overlays_trampoline_lowered:
0x8: {  	[smem:$0x3FAD] =	sst s0  }
0x9: {  	[smem:$0x3FAE] =	sst s1  }
0xa: {  	[smem:$0x3FAF] =	sst s2  }
0xb: {  	[smem:$0x3FB0] =	sst s3  }
0xc: {  	[smem:$0x3FB1] =	sst s4  }
0xd: {  	[smem:$0x3FB2] =	sst s5  }
0xe: {  	[smem:$0x3FB3] =	sst s6  }
0xf: {  	[smem:$0x3FB4] =	sst s7  }
0x10: {  	[smem:$0x3FB5] =	sst s8  }
0x11: {  	[smem:$0x3FB6] =	sst s9;
	s0 =	simm.s32 @!p0 $0x0  }
0x12: {  	s1 =	sld [smem:$0x3F9C];
	s0 =	simm.s32 @p0 $0x1  }
0x13: {  	[smem:$0x3FB7] =	sst s0;
	s0 =	simm.s32 @!p1 $0x0  }
0x14: {  	s2 =	sld [smem:$0x3F9B];
	s0 =	simm.s32 @p1 $0x1  }
0x15: {  	[smem:$0x3FB8] =	sst s0;
	s0 =	simm.s32 @!p2 $0x0  }
0x16: {  	s3 =	sld [smem:$0x3FDB];
	s0 =	simm.s32 @p2 $0x1  }
0x17: {  	s4 =	simm.s32 $0x1BF5;
	[smem:$0x3FBA] =	sst s0  }
0x18: {  	s0 =	sld [smem:$0x3F9D];
	_ =	swait.ge [sflag:s4], $0x0  }
0x19: {  	s7 =	sld [smem:$0x3F9E]  }
0x1a: {  	s8 =	sadd.s32 $0xFFFFE003, lr  }
0x1b: {  	s9 =	sadd.s32 $0xFFFFFEF7, lr;
	s5 =	simm.s32 $0xFFFFFFFF;
	p2 =	slt.u32 s8, $0xFFFFF086  }
0x1c: {  	p1 =	slt.u32 s9, $0xF7A;
	s5 =	simm.s32 @!p2 $0x0  }
0x1d: {  	s5 =	simm.s32 @p1 $0x1;
	p0 =	seq.s32 s7, s2  }
0x1e: {  	s7 =	smul.u32 @!p0 $0xF7A, s2;
	p2 =	seq.s32 @!p0 s5, $0x0  }
0x1f: {  	s9 =	smul.u32 $0xF7A, s1;
	s8 =	simm.s32 @!p0 $0x1BF5;
	p2 =	por !p2, p0  }
0x20: {  	[sflag:s8] =	ssyncset.s32 @!p0 $0xFFFFF086;
	s6 =	sadd.s32 @!p0 s3, s7;
	s7 =	simm.s32 @!p0 $0x108  }
0x21: {  	s3 =	sadd.s32 s3, s9;
	s6 =	sadd.s32 @!p0 $0x88, s6;
	s7 =	simm.s32 @p2 $0x1082  }
0x22: {  	[simem:s7], [sflag:s8] =	dma.local @!p0 [hbm:s6], $0xF7A  }
0x23: {  	s9 =	sor.u32 $0xD0000000, s2;
	s6 =	simm.s32 $0x108;
	_ =	swait.ge @!p0 [sflag:s8], $0x0  }
0x24: {  	s3 =	sadd.s32 $0x88, s3;
	s6 =	simm.s32 @!p1 $0x1082;
	[sflag:s4] =	ssyncset.s32 $0xFFFFF086  }
0x25: {  	[simem:s6], [sflag:s4] =	dma.local [hbm:s3], $0xF7A  }
0x26: {  	[smem:$0x3F9E] =	sst s1;
	(tag) =	ssettag s2;
	_ =	strace s9  }
0x27: {  	s1 =	sld [smem:$0x3FAE]  }
0x28: {  	s2 =	sld [smem:$0x3FAF]  }
0x29: {  	s4 =	sld [smem:$0x3FB1]  }
0x2a: {  	p0 =	seq.s32 s5, $0x0;
	s5 =	sld [smem:$0x3FB2]  }
0x2b: {  	s6 =	sld [smem:$0x3FB3]  }
0x2c: {  	s7 =	sld [smem:$0x3FB4]  }
0x2d: {  	s3 =	simm.s32 $0x108;
	s8 =	sld [smem:$0x3FB5]  }
0x2e: {  	s3 =	simm.s32 @!p0 $0x1082;
	s9 =	sld [smem:$0x3FB6]  }
0x2f: {  	lr =	sadd.s32 s0, s3;
	s0 =	sld [smem:$0x3FAD]  }
0x30: {  	s3 =	sld [smem:$0x3FB0]  }
0x31: {  	[smem:$0x3FB9] =	sst s10  }
0x32: {  	s10 =	sld [smem:$0x3FB7];
	_ =	sdelay $0x3  }
0x33: {  	p0 =	seq.s32 s10, $0x1;
	s10 =	sld [smem:$0x3FB9];
	_ =	sdelay $0x3  }
0x34: {  	[smem:$0x3FB9] =	sst s10  }
0x35: {  	s10 =	sld [smem:$0x3FB8];
	_ =	sdelay $0x3  }
0x36: {  	p1 =	seq.s32 s10, $0x1;
	s10 =	sld [smem:$0x3FB9];
	_ =	sdelay $0x3  }
0x37: {  	[smem:$0x3FB9] =	sst s10  }
0x38: {  	s10 =	sld [smem:$0x3FBA]  }
0x39: {  	_ = 	snop;
	(pc) =	sbr.ind lr, $3  }
0x3a: {  	_ = 	snop  }
0x3b: {  	_ = 	snop  }
0x3c: {  	p2 =	seq.s32 s10, $0x1;
	s10 =	sld [smem:$0x3FB9]  }
0x3d: {  	_ =	shalt  }
0x3e: {  	_ =	shalt  }
0x3f: {  	_ =	shalt  }
0x40: {  	_ =	shalt  }
0x41: {  	_ =	shalt  }
0x42: {  	_ =	shalt  }
0x43: {  	_ =	shalt  }
0x44: {  	_ =	shalt  }
0x45: {  	_ =	shalt  }
0x46: {  	_ =	shalt  }
0x47: {  	_ =	shalt  }
0x48: {  	_ =	shalt  }
0x49: {  	_ =	shalt  }
0x4a: {  	_ =	shalt  }
0x4b: {  	_ =	shalt  }
0x4c: {  	_ =	shalt  }
0x4d: {  	_ =	shalt  }
0x4e: {  	_ =	shalt  }
0x4f: {  	_ =	shalt  }
0x50: {  	_ =	shalt  }
0x51: {  	_ =	shalt  }
0x52: {  	_ =	shalt  }
0x53: {  	_ =	shalt  }
0x54: {  	_ =	shalt  }
0x55: {  	_ =	shalt  }
0x56: {  	_ =	shalt  }
0x57: {  	_ =	shalt  }
0x58: {  	_ =	shalt  }
0x59: {  	_ =	shalt  }
0x5a: {  	_ =	shalt  }
0x5b: {  	_ =	shalt  }
0x5c: {  	_ =	shalt  }
0x5d: {  	_ =	shalt  }
0x5e: {  	_ =	shalt  }
0x5f: {  	_ =	shalt  }
0x60: {  	_ =	shalt  }
0x61: {  	_ =	shalt  }
0x62: {  	_ =	shalt  }
0x63: {  	_ =	shalt  }
0x64: {  	_ =	shalt  }
0x65: {  	_ =	shalt  }
0x66: {  	_ =	shalt  }
0x67: {  	_ =	shalt  }
0x68: {  	_ =	shalt  }
0x69: {  	_ =	shalt  }
0x6a: {  	_ =	shalt  }
0x6b: {  	_ =	shalt  }
0x6c: {  	_ =	shalt  }
0x6d: {  	_ =	shalt  }
0x6e: {  	_ =	shalt  }
0x6f: {  	_ =	shalt  }
0x70: {  	_ =	shalt  }
0x71: {  	_ =	shalt  }
0x72: {  	_ =	shalt  }
0x73: {  	_ =	shalt  }
0x74: {  	_ =	shalt  }
0x75: {  	_ =	shalt  }
0x76: {  	_ =	shalt  }
0x77: {  	_ =	shalt  }
0x78: {  	_ =	shalt  }
0x79: {  	_ =	shalt  }
0x7a: {  	_ =	shalt  }
0x7b: {  	_ =	shalt  }
0x7c: {  	_ =	shalt  }
0x7d: {  	_ =	shalt  }
0x7e: {  	_ =	shalt  }
0x7f: {  	_ =	shalt  }
0x80: {  	_ =	shalt  }
0x81: {  	_ =	shalt  }
0x82: {  	_ =	shalt  }
0x83: {  	_ =	shalt  }
0x84: {  	_ =	shalt  }
0x85: {  	_ =	shalt  }
0x86: {  	_ =	shalt  }
0x87: {  	_ =	shalt  }
.Lfunc_end0:
.L_simem_size_0:
called_computation_lowered:
.L_overlay_start_0:
0x88: {  	s2 =	sld [smem:$0x3FD9]  }
0x89: {  	s3 =	sld [smem:$0x3FFE];
	_ =	sdelay $0x1  }
0x8a: {  	s1 =	srdreg.scid  }
0x8b: {  	s0 =	sand.u32 $0x1, s1  }
0x8c: {  	s17 =	sshll.u32 s0, $0xA;
	s2 =	sadd.s32 s3, s2  }
0x8d: {  	s2 =	sadd.s32 s2, s17  }
0x8e: {  	[smem:$0x3FC5] =	sst s2  }
0x8f: {  	_ = 	snop  }
0x90: {  	s2 =	sld [smem:$0x3FC7];
	(tm) =	ssettm $0x1  }
0x91: {  	s18 =	sld [smem:$0x3FFB];
	_ =	sdelay $0x3  }
0x92: {  	_ =	strace s18  }
0x93: {  	s3 =	sld [smem:$0x3FFC];
	_ =	sdelay $0x3  }
0x94: {  	_ =	strace s3  }
0x95: {  	s3 =	sld [smem:$0x3FFD];
	_ =	sdelay $0x3  }
0x96: {  	_ =	strace s3  }
0x97: {  	_ =	strace $0x8FFFFFFF  }
0x98: {  	s19 =	sld [smem:$0x3FDB];
	_ =	sdelay $0x1  }
0x99: {  	s4 =	simm.s32 $_scs_section_size  }
0x9a: {  	s5 =	simm.s32 $_size__tile_overlayer_lowered;
	s6 =	simm.s32 $_tile_overlayer_lowered  }
0x9b: {  	s22 =	simm.s32 $0x1BFF;
	s21 =	sshll.u32 s6, $0x1;
	s3 =	sadd.s32 s4, s19  }
0x9c: {  	s7 =	simm.s32 $0x0;
	s20 =	sshll.u32 s5, $0x1;
	s5 =	sadd.s32 s21, s3  }
0x9d: {  	[timem:s7], [sflag:s22] =	dma.local [hbm:s5], s20  }
0x9e: {  	_ =	swait.ge [sflag:s22], s20  }
0x9f: {  	s4 =	ssub.s32 $0x0, s20;
	[sflag:s22] =	ssyncset.done $0x0  }
0xa0: {  	[sflag:s22] =	ssyncadd.s32 s4;
	_ =	sdelay $0x1  }
0xa1: {  	s23 =	simm.s32 $0x1B8B  }
0xa2: {  	_ =	swait.ge [sflag:s23], $0x1  }
0xa3: {  	[sflag:s23] =	ssyncset.done $0x0  }
0xa4: {  	s25 =	simm.s32 $0x1B8E;
	s24 =	sld [smem:$0x3FFE];
	[sflag:s23] =	ssyncadd.s32 $0xFFFFFFFF  }
0xa5: {  	s26 =	simm.s32 $execute0_lowered;
	[smem:$0x3FD2] =	sst s25  }
0xa6: {  	s5 =	sshll.u32 s26, $0x1;
	_ =	strace $0x80000046;
	[dreg:$0x1] =	wrdreg $0xFFFFFFFF  }
0xa7: {  	s28 =	simm.s32 $_size_execute0_lowered;
	s3 =	sadd.s32 s3, s5;
	[dreg:$0x0] =	wrdreg $0x0  }
0xa8: {  	s5 =	sshll.u32 s28, $0x1;
	[dreg:$0x2] =	wrdreg s3  }
0xa9: {  	[dreg:$0x3] =	wrdreg s5  }
0xaa: {  	[dreg:$0x4] =	wrdreg $0xC0  }
0xab: {  	_ =	task [dreg:s7], $0x5FFFF  }
0xac: {  	[dreg:$0x1] =	wrdreg $0xFFFFFFFF  }
0xad: {  	[dreg:$0x0] =	wrdreg $0x60  }
0xae: {  	[dreg:$0x2] =	wrdreg s24  }
0xaf: {  	[dreg:$0x3] =	wrdreg s2  }
0xb0: {  	[dreg:$0x4] =	wrdreg $0x9  }
0xb1: {  	_ =	task.clear_ibuf [dreg:s7], $0x5FFFF;
	_ =	strace $0x90000046  }
0xb2: {  	s29 =	simm.s32 $0x9;
	_ =	strace $0x80000048  }
0xb3: {  	_ =	swait.ge [sflag:s29], $0x1  }
0xb4: {  	[sflag:s29] =	ssyncadd.s32 $0xFFFFFFFF  }
0xb5: {  	_ =	strace $0x90000048  }
0xb6: {  	_ =	sfence  }
0xb7: {  	s30 =	sld [smem:$0x0];
	_ =	sdelay $0x2  }
0xb8: {  	s31 =	sshll.u32 s1, $0xD;
	s1 =	sshrl.u32 s1, $0x2  }
0xb9: {  	s3 =	sand.u32 $0x4000, s31;
	s1 =	sadd.s32 s1, s30  }
0xba: {  	s0 =	sor.u32 s3, s0;
	s1 =	sshll.u32 s1, $0x11  }
0xbb: {  	s0 =	sor.u32 s1, s0  }
0xbc: {  	s0 =	sadd.s32 $0x8F2B, s0  }
0xbd: {  	[sflag:s0] =	ssyncadd.remote.s32 $0x1  }
0xbe: {  	_ =	sfence.sel $0xFFFF  }
0xbf: {  	[dreg:$0x0] =	wrdreg $0xFFFFFFFF;
	(pc) =	sbr.abs _section_cstart, $3  }
0xc0: {  	[dreg:$0x1] =	wrdreg $0xFFFFFFFF  }
0xc1: {  	_ =	task.clear_ibuf [dreg:s7], $0x2FFFF;
	_ =	strace $0x9FFFFFFF  }
0xc2: {  	(tm) =	ssettm $0x7FFFFFFF  }
0xc3: {  	_ =	shalt  }
tec
execute0_lowered:
.L_overlay_start_1:
0x0: {  	(tag) =	ssettag $0x1  }
0x1: {  	s1 =	srdreg.scid;
	s0 =	stileid.u32  }
0x2: {  	s15 =	sand.u32 $0x1, s1;
	s30 =	sshll.u32 s0, $0x1  }
0x3: {  	s4 =	rddreg [dreg:$0x0];
	s5 =	sor.u32 s15, s30  }
0x4: {  	s3 =	rddreg [dreg:$0x1];
	s2 =	simm.s32 $0x0;
	s6 =	sshll.u32 s5, $0x4  }
0x5: {  	[smem:$0x7FF] =	sst s2;
	s14 =	sadd.s32 s6, s4  }
0x6: {  	s1 =	rddreg [dreg:$0x2];
	_ =	strace $0x80000047;
	s4 =	sadd.s32 $0xA00, s14  }
0x7: {  	[tilespmem:s2], [sflag:$0x1] =	stream.linear.gather [hbm4b:s4+s2], $0x80, $0x38;
	[tilespmem:$0x6280] =	vst v63  }
0x8: {  	s31 =	sshll.u32 s5, $0x5;
	s5 =	simm.s32 $0x80  }
0x9: {  	[tilespmem:s5], [sflag:$0x2] =	stream.linear.gather [hbm4b:s3+s2], $0x4000, $0x38;
	[tilespmem:$0x6280] =	vst v63  }
0xa: {  	s7 =	sadd.s32 $0x800, s3;
	s8 =	sadd.s32 s31, s3;
	s6 =	simm.s32 $0x4080  }
0xb: {  	[tilespmem:s6], [sflag:$0x3] =	stream.linear.gather [hbm4b:s7+s2], $0x2000, $0x38;
	[tilespmem:$0x6280] =	vst v63  }
0xc: {  	s10 =	simm.s32 $0x1;
	s9 =	sadd.s32 $0xC00, s8;
	s8 =	simm.s32 $0x6080  }
0xd: {  	[tilespmem:s8], [sflag:$0x4] =	stream.linear.gather [hbm4b:s9+s2], $0x100, $0x38;
	[tilespmem:$0x6280] =	vst v63  }
0xe: {  	_ =	swait.ge [sflag:s10], $0x80  }
0xf: {  	[sflag:s10] =	ssyncset.done $0x0  }
0x10: {  	s11 =	simm.s32 $0x2;
	[sflag:s10] =	ssyncadd.s32 $0xFFFFFF80  }
0x11: {  	_ =	swait.ge [sflag:s11], $0x4000  }
0x12: {  	[sflag:s11] =	ssyncset.done $0x0  }
0x13: {  	s12 =	simm.s32 $0x3;
	[sflag:s11] =	ssyncadd.s32 $0xFFFFC000  }
0x14: {  	_ =	swait.ge [sflag:s12], $0x2000  }
0x15: {  	[sflag:s12] =	ssyncset.done $0x0  }
0x16: {  	s13 =	simm.s32 $0x4;
	[sflag:s12] =	ssyncadd.s32 $0xFFFFE000  }
0x17: {  	_ =	swait.ge [sflag:s13], $0x100  }
0x18: {  	[sflag:s13] =	ssyncset.done $0x0  }
0x19: {  	[sflag:s13] =	ssyncadd.s32 $0xFFFFFF00  }
0x1a: {  	v0 =	vlaneseq.u32;
	v2 =	vld [tilespmem:$0x0]  }
0x1b: {  	v0 =	vmul.u32 $0x2, v0;
	_ =	sdelay $0x1  }
0x1c: {  	v1 =	vor.u32 $0x1, v0;
	_ =	sdelay $0x1  }
0x1d: {  	v3 =	vshll.u32 v2, $0x1  }
0x1e: {  	v4 =	vor.u32 $0x1, v3;
	_ =	sdelay $0x1  }
0x1f: {  	v5 =	vld.idx.msk [tilespmem:v1+s8+$0x0], $0xffff  }
0x20: {  	v6 =	vld.idx.msk [tilespmem:v0+s8+$0x0], $0xffff  }
0x21: {  	v3 =	vld.idx.msk [tilespmem:v3+s5+$0x0], $0xffff  }
0x22: {  	v4 =	vld.idx.msk [tilespmem:v4+s5+$0x0], $0xffff;
	_ =	sdelay $0x1  }
0x23: {  	v7 =	vld [tilespmem:$0x10];
	_ =	sdelay $0x2  }
0x24: {  	v8 =	vld.idx.msk [tilespmem:v2+s6+$0x0], $0xffff;
	v2 =	vsub.f32 v6, v3;
	v3 =	vsub.f32 v5, v4;
	_ =	sdelay $0x1  }
0x25: {  	v6 =	vshll.u32 v7, $0x1;
	v4 =	vmul.f32 v2, v2;
	v5 =	vmul.f32 v3, v3  }
0x26: {  	v2 =	vor.u32 $0x20, v0  }
0x27: {  	v3 =	vor.u32 $0x21, v0;
	v4 =	vadd.f32 v5, v4  }
0x28: {  	[tilespmem:$0x6200] =	vst v8;
	v5 =	vor.u32 $0x1, v6  }
0x29: {  	[tilespmem:$0x6180] =	vst v4  }
0x2a: {  	v4 =	vld.idx.msk [tilespmem:v6+s5+$0x0], $0xffff  }
0x2b: {  	v6 =	vld.idx.msk [tilespmem:v2+s8+$0x0], $0xffff  }
0x2c: {  	v8 =	vld.idx.msk [tilespmem:v3+s8+$0x0], $0xffff  }
0x2d: {  	v5 =	vld.idx.msk [tilespmem:v5+s5+$0x0], $0xffff;
	_ =	sdelay $0x1  }
0x2e: {  	v9 =	vld [tilespmem:$0x20];
	_ =	sdelay $0x2  }
0x2f: {  	v7 =	vld.idx.msk [tilespmem:v7+s6+$0x0], $0xffff;
	v6 =	vsub.f32 v6, v4;
	v5 =	vsub.f32 v8, v5  }
0x30: {  	v4 =	vor.u32 $0x40, v0  }
0x31: {  	v6 =	vmul.f32 v6, v6;
	v8 =	vshll.u32 v9, $0x1;
	v5 =	vmul.f32 v5, v5  }
0x32: {  	v10 =	vor.u32 $0x1, v8  }
0x33: {  	v6 =	vadd.f32 v5, v6  }
0x34: {  	[tilespmem:$0x6210] =	vst v7;
	v5 =	vor.u32 $0x41, v0  }
0x35: {  	[tilespmem:$0x6190] =	vst v6  }
0x36: {  	v6 =	vld.idx.msk [tilespmem:v4+s8+$0x0], $0xffff  }
0x37: {  	v7 =	vld.idx.msk [tilespmem:v10+s5+$0x0], $0xffff  }
0x38: {  	v8 =	vld.idx.msk [tilespmem:v8+s5+$0x0], $0xffff  }
0x39: {  	v10 =	vld.idx.msk [tilespmem:v5+s8+$0x0], $0xffff;
	_ =	sdelay $0x1  }
0x3a: {  	v11 =	vld [tilespmem:$0x30];
	_ =	sdelay $0x2  }
0x3b: {  	v9 =	vld.idx.msk [tilespmem:v9+s6+$0x0], $0xffff;
	v8 =	vsub.f32 v6, v8;
	v7 =	vsub.f32 v10, v7  }
0x3c: {  	v6 =	vor.u32 $0x61, v0  }
0x3d: {  	v8 =	vmul.f32 v8, v8;
	v10 =	vshll.u32 v11, $0x1;
	v7 =	vmul.f32 v7, v7  }
0x3e: {  	v12 =	vor.u32 $0x1, v10  }
0x3f: {  	v8 =	vadd.f32 v7, v8  }
0x40: {  	[tilespmem:$0x6220] =	vst v9;
	v7 =	vor.u32 $0x60, v0  }
0x41: {  	[tilespmem:$0x61A0] =	vst v8  }
0x42: {  	v8 =	vld.idx.msk [tilespmem:v6+s8+$0x0], $0xffff  }
0x43: {  	v9 =	vld.idx.msk [tilespmem:v12+s5+$0x0], $0xffff  }
0x44: {  	v10 =	vld.idx.msk [tilespmem:v10+s5+$0x0], $0xffff  }
0x45: {  	v12 =	vld.idx.msk [tilespmem:v7+s8+$0x0], $0xffff;
	_ =	sdelay $0x1  }
0x46: {  	v13 =	vld [tilespmem:$0x40];
	_ =	sdelay $0x2  }
0x47: {  	v11 =	vld.idx.msk [tilespmem:v11+s6+$0x0], $0xffff;
	v9 =	vsub.f32 v8, v9;
	v10 =	vsub.f32 v12, v10  }
0x48: {  	v8 =	vor.u32 $0x81, v0  }
0x49: {  	v9 =	vmul.f32 v9, v9;
	v12 =	vshll.u32 v13, $0x1;
	v10 =	vmul.f32 v10, v10  }
0x4a: {  	v14 =	vor.u32 $0x1, v12  }
0x4b: {  	v10 =	vadd.f32 v9, v10  }
0x4c: {  	[tilespmem:$0x6230] =	vst v11;
	v9 =	vor.u32 $0x80, v0  }
0x4d: {  	[tilespmem:$0x61B0] =	vst v10  }
0x4e: {  	v10 =	vld.idx.msk [tilespmem:v8+s8+$0x0], $0xffff  }
0x4f: {  	v11 =	vld.idx.msk [tilespmem:v14+s5+$0x0], $0xffff  }
0x50: {  	v12 =	vld.idx.msk [tilespmem:v12+s5+$0x0], $0xffff  }
0x51: {  	v14 =	vld.idx.msk [tilespmem:v9+s8+$0x0], $0xffff;
	_ =	sdelay $0x1  }
0x52: {  	v15 =	vld [tilespmem:$0x50];
	_ =	sdelay $0x2  }
0x53: {  	v13 =	vld.idx.msk [tilespmem:v13+s6+$0x0], $0xffff;
	v11 =	vsub.f32 v10, v11;
	v12 =	vsub.f32 v14, v12  }
0x54: {  	v10 =	vor.u32 $0xA1, v0  }
0x55: {  	v11 =	vmul.f32 v11, v11;
	v14 =	vshll.u32 v15, $0x1;
	v12 =	vmul.f32 v12, v12  }
0x56: {  	v16 =	vor.u32 $0x1, v14  }
0x57: {  	v12 =	vadd.f32 v11, v12  }
0x58: {  	[tilespmem:$0x6240] =	vst v13;
	v11 =	vor.u32 $0xA0, v0  }
0x59: {  	[tilespmem:$0x61C0] =	vst v12  }
0x5a: {  	v12 =	vld.idx.msk [tilespmem:v10+s8+$0x0], $0xffff  }
0x5b: {  	v13 =	vld.idx.msk [tilespmem:v16+s5+$0x0], $0xffff  }
0x5c: {  	v14 =	vld.idx.msk [tilespmem:v14+s5+$0x0], $0xffff  }
0x5d: {  	v16 =	vld.idx.msk [tilespmem:v11+s8+$0x0], $0xffff;
	_ =	sdelay $0x1  }
0x5e: {  	v17 =	vld [tilespmem:$0x60];
	_ =	sdelay $0x2  }
0x5f: {  	v15 =	vld.idx.msk [tilespmem:v15+s6+$0x0], $0xffff;
	v12 =	vsub.f32 v12, v13;
	v13 =	vsub.f32 v16, v14;
	_ =	sdelay $0x1  }
0x60: {  	v14 =	vmul.f32 v12, v12;
	v16 =	vshll.u32 v17, $0x1;
	v13 =	vmul.f32 v13, v13  }
0x61: {  	v18 =	vor.u32 $0x1, v16  }
0x62: {  	v12 =	vor.u32 $0xC1, v0;
	v14 =	vadd.f32 v14, v13  }
0x63: {  	[tilespmem:$0x6250] =	vst v15;
	v13 =	vor.u32 $0xC0, v0  }
0x64: {  	[tilespmem:$0x61D0] =	vst v14  }
0x65: {  	v14 =	vld.idx.msk [tilespmem:v16+s5+$0x0], $0xffff  }
0x66: {  	v15 =	vld.idx.msk [tilespmem:v18+s5+$0x0], $0xffff  }
0x67: {  	v18 =	vld.idx.msk [tilespmem:v12+s8+$0x0], $0xffff  }
0x68: {  	v19 =	vld.idx.msk [tilespmem:v13+s8+$0x0], $0xffff;
	_ =	sdelay $0x1  }
0x69: {  	v16 =	vld [tilespmem:$0x70]  }
0x6a: {  	s15 =	ssub.s32 $0x2, s15  }
0x6b: {  	s16 =	sshrl.u32 s15, $0x1  }
0x6c: {  	s16 =	ssub.s32 s15, s16;
	v17 =	vld.idx.msk [tilespmem:v17+s6+$0x0], $0xffff;
	v15 =	vsub.f32 v18, v15;
	v14 =	vsub.f32 v19, v14  }
0x6d: {  	s19 =	smax.u32 s16, $0x1  }
0x6e: {  	p0 =	sne.s32 s19, $0x1;
	v15 =	vmul.f32 v15, v15;
	v19 =	vshll.u32 v16, $0x1;
	v14 =	vmul.f32 v14, v14  }
.Ltmp0:
0x6f: {  	v18 =	vor.u32 $0x1, v19;
	(pc) =	sbr.rel @!p0 .LBB2_2-.Ltmp0, $4  }
0x70: {  	v14 =	vadd.f32 v15, v14;
	v15 =	vor.u32 $0xE1, v0  }
0x71: {  	[tilespmem:$0x6260] =	vst v17  }
0x72: {  	s17 =	simm.s32 $0x6180;
	s18 =	simm.s32 $0x6200;
	s15 =	sadd.s32 $0xC00, s14;
	[tilespmem:$0x61E0] =	vst v14;
	v14 =	vor.u32 $0xE0, v0  }
0x73: {  	s14 =	sadd.s32 $0xE00, s14;
	s16 =	simm.s32 $0x5;
	s19 =	sadd.s32 $0xFFFFFFFF, s19;
	v17 =	vld.idx.msk [tilespmem:v19+s5+$0x0], $0xffff  }
.LBB2_1:
0x74: {  	p0 =	sne.s32 s19, $0x1;
	s19 =	sadd.s32 $0xFFFFFFFF, s19;
	v18 =	vld.idx.msk [tilespmem:v18+s5+$0x0], $0xffff  }
0x75: {  	v19 =	vld.idx.msk [tilespmem:v15+s8+$0x0], $0xffff  }
0x76: {  	v16 =	vld.idx.msk [tilespmem:v16+s6+$0x0], $0xffff  }
0x77: {  	v20 =	vld.idx.msk [tilespmem:v14+s8+$0x0], $0xffff;
	_ =	sdelay $0x3  }
0x78: {  	v18 =	vsub.f32 v19, v18  }
0x79: {  	[tilespmem:$0x6270] =	vst v16  }
0x7a: {  	v16 =	vsub.f32 v20, v17;
	_ =	sdelay $0x1  }
0x7b: {  	v17 =	vmul.f32 v18, v18;
	v16 =	vmul.f32 v16, v16;
	_ =	sdelay $0x1  }
0x7c: {  	v16 =	vadd.f32 v17, v16;
	_ =	sdelay $0x1  }
0x7d: {  	[tilespmem:$0x61F0] =	vst v16  }
0x7e: {  	[hbm4b:s15+s2] =	stream.linear.scatter [tilespmem:s17], [sflag:$0x5], $0x80, $0x38;
	[tilespmem:$0x6280] =	vst v63  }
0x7f: {  	_ =	swait.ge [sflag:s16], $0x80  }
0x80: {  	[sflag:s16] =	ssyncset.done $0x0  }
0x81: {  	[sflag:s16] =	ssyncadd.s32 $0xFFFFFF80  }
0x82: {  	[hbm4b:s14+s2] =	stream.linear.scatter [tilespmem:s18], [sflag:$0x5], $0x80, $0x38;
	[tilespmem:$0x6280] =	vst v63  }
0x83: {  	_ =	swait.ge [sflag:s16], $0x80  }
0x84: {  	[sflag:s16] =	ssyncset.done $0x0  }
0x85: {  	[sflag:s16] =	ssyncadd.s32 $0xFFFFFF80  }
0x86: {  	[tilespmem:s2], [sflag:$0x1] =	stream.linear.gather [hbm4b:s4+s2], $0x80, $0x38;
	[tilespmem:$0x6280] =	vst v63  }
0x87: {  	_ = 	snop  }
0x88: {  	[tilespmem:s5], [sflag:$0x2] =	stream.linear.gather [hbm4b:s3+s2], $0x4000, $0x38;
	[tilespmem:$0x6280] =	vst v63  }
0x89: {  	_ = 	snop  }
0x8a: {  	[tilespmem:s6], [sflag:$0x3] =	stream.linear.gather [hbm4b:s7+s2], $0x2000, $0x38;
	[tilespmem:$0x6280] =	vst v63  }
0x8b: {  	_ = 	snop  }
0x8c: {  	[tilespmem:s8], [sflag:$0x4] =	stream.linear.gather [hbm4b:s9+s2], $0x100, $0x38;
	[tilespmem:$0x6280] =	vst v63  }
0x8d: {  	_ =	swait.ge [sflag:s10], $0x80  }
0x8e: {  	[sflag:s10] =	ssyncset.done $0x0  }
0x8f: {  	[sflag:s10] =	ssyncadd.s32 $0xFFFFFF80  }
0x90: {  	_ =	swait.ge [sflag:s11], $0x4000  }
0x91: {  	[sflag:s11] =	ssyncset.done $0x0  }
0x92: {  	[sflag:s11] =	ssyncadd.s32 $0xFFFFC000  }
0x93: {  	_ =	swait.ge [sflag:s12], $0x2000  }
0x94: {  	[sflag:s12] =	ssyncset.done $0x0  }
0x95: {  	[sflag:s12] =	ssyncadd.s32 $0xFFFFE000  }
0x96: {  	_ =	swait.ge [sflag:s13], $0x100  }
0x97: {  	[sflag:s13] =	ssyncset.done $0x0  }
0x98: {  	[sflag:s13] =	ssyncadd.s32 $0xFFFFFF00  }
0x99: {  	v16 =	vld [tilespmem:$0x0];
	_ =	sdelay $0x4  }
0x9a: {  	v17 =	vshll.u32 v16, $0x1  }
0x9b: {  	v18 =	vor.u32 $0x1, v17  }
0x9c: {  	v19 =	vld.idx.msk [tilespmem:v1+s8+$0x0], $0xffff  }
0x9d: {  	v20 =	vld.idx.msk [tilespmem:v0+s8+$0x0], $0xffff;
	_ =	sdelay $0x1  }
0x9e: {  	v17 =	vld.idx.msk [tilespmem:v17+s5+$0x0], $0xffff  }
0x9f: {  	v18 =	vld.idx.msk [tilespmem:v18+s5+$0x0], $0xffff;
	_ =	sdelay $0x2  }
0xa0: {  	v21 =	vld [tilespmem:$0x10];
	_ =	sdelay $0x1  }
0xa1: {  	v17 =	vsub.f32 v20, v17;
	v16 =	vld.idx.msk [tilespmem:v16+s6+$0x0], $0xffff  }
0xa2: {  	v18 =	vsub.f32 v19, v18  }
0xa3: {  	v17 =	vmul.f32 v17, v17  }
0xa4: {  	v18 =	vmul.f32 v18, v18;
	v19 =	vshll.u32 v21, $0x1;
	_ =	sdelay $0x1  }
0xa5: {  	v17 =	vadd.f32 v18, v17  }
0xa6: {  	[tilespmem:$0x6200] =	vst v16;
	v16 =	vor.u32 $0x1, v19  }
0xa7: {  	[tilespmem:$0x6180] =	vst v17  }
0xa8: {  	v17 =	vld.idx.msk [tilespmem:v19+s5+$0x0], $0xffff  }
0xa9: {  	v18 =	vld.idx.msk [tilespmem:v2+s8+$0x0], $0xffff  }
0xaa: {  	v19 =	vld.idx.msk [tilespmem:v3+s8+$0x0], $0xffff  }
0xab: {  	v16 =	vld.idx.msk [tilespmem:v16+s5+$0x0], $0xffff  }
0xac: {  	v20 =	vld.idx.msk [tilespmem:v21+s6+$0x0], $0xffff;
	_ =	sdelay $0x1  }
0xad: {  	v21 =	vld [tilespmem:$0x20]  }
0xae: {  	v17 =	vsub.f32 v18, v17;
	_ =	sdelay $0x1  }
0xaf: {  	v16 =	vsub.f32 v19, v16;
	v17 =	vmul.f32 v17, v17  }
0xb0: {  	[tilespmem:$0x6210] =	vst v20  }
0xb1: {  	v16 =	vmul.f32 v16, v16;
	v18 =	vshll.u32 v21, $0x1  }
0xb2: {  	v19 =	vor.u32 $0x1, v18  }
0xb3: {  	v16 =	vadd.f32 v16, v17;
	_ =	sdelay $0x1  }
0xb4: {  	[tilespmem:$0x6190] =	vst v16  }
0xb5: {  	v16 =	vld.idx.msk [tilespmem:v4+s8+$0x0], $0xffff  }
0xb6: {  	v17 =	vld.idx.msk [tilespmem:v19+s5+$0x0], $0xffff  }
0xb7: {  	v18 =	vld.idx.msk [tilespmem:v18+s5+$0x0], $0xffff  }
0xb8: {  	v19 =	vld.idx.msk [tilespmem:v5+s8+$0x0], $0xffff  }
0xb9: {  	v20 =	vld.idx.msk [tilespmem:v21+s6+$0x0], $0xffff;
	_ =	sdelay $0x1  }
0xba: {  	v21 =	vld [tilespmem:$0x30];
	_ =	sdelay $0x1  }
0xbb: {  	v16 =	vsub.f32 v16, v18  }
0xbc: {  	v17 =	vsub.f32 v19, v17  }
0xbd: {  	[tilespmem:$0x6220] =	vst v20  }
0xbe: {  	v16 =	vmul.f32 v16, v16;
	v17 =	vmul.f32 v17, v17;
	v18 =	vshll.u32 v21, $0x1  }
0xbf: {  	v19 =	vor.u32 $0x1, v18  }
0xc0: {  	v16 =	vadd.f32 v17, v16;
	_ =	sdelay $0x1  }
0xc1: {  	[tilespmem:$0x61A0] =	vst v16  }
0xc2: {  	v16 =	vld.idx.msk [tilespmem:v6+s8+$0x0], $0xffff  }
0xc3: {  	v17 =	vld.idx.msk [tilespmem:v19+s5+$0x0], $0xffff  }
0xc4: {  	v18 =	vld.idx.msk [tilespmem:v18+s5+$0x0], $0xffff  }
0xc5: {  	v19 =	vld.idx.msk [tilespmem:v7+s8+$0x0], $0xffff  }
0xc6: {  	v20 =	vld.idx.msk [tilespmem:v21+s6+$0x0], $0xffff;
	_ =	sdelay $0x1  }
0xc7: {  	v21 =	vld [tilespmem:$0x40]  }
0xc8: {  	v16 =	vsub.f32 v16, v17;
	_ =	sdelay $0x1  }
0xc9: {  	v17 =	vsub.f32 v19, v18  }
0xca: {  	[tilespmem:$0x6230] =	vst v20  }
0xcb: {  	v16 =	vmul.f32 v16, v16;
	v17 =	vmul.f32 v17, v17;
	v18 =	vshll.u32 v21, $0x1  }
0xcc: {  	v19 =	vor.u32 $0x1, v18  }
0xcd: {  	v16 =	vadd.f32 v16, v17;
	_ =	sdelay $0x1  }
0xce: {  	[tilespmem:$0x61B0] =	vst v16  }
0xcf: {  	v16 =	vld.idx.msk [tilespmem:v8+s8+$0x0], $0xffff  }
0xd0: {  	v17 =	vld.idx.msk [tilespmem:v19+s5+$0x0], $0xffff  }
0xd1: {  	v18 =	vld.idx.msk [tilespmem:v18+s5+$0x0], $0xffff  }
0xd2: {  	v19 =	vld.idx.msk [tilespmem:v9+s8+$0x0], $0xffff  }
0xd3: {  	v20 =	vld.idx.msk [tilespmem:v21+s6+$0x0], $0xffff;
	_ =	sdelay $0x1  }
0xd4: {  	v21 =	vld [tilespmem:$0x50]  }
0xd5: {  	v16 =	vsub.f32 v16, v17;
	_ =	sdelay $0x1  }
0xd6: {  	v17 =	vsub.f32 v19, v18  }
0xd7: {  	v16 =	vmul.f32 v16, v16;
	[tilespmem:$0x6240] =	vst v20  }
0xd8: {  	v17 =	vmul.f32 v17, v17;
	v18 =	vshll.u32 v21, $0x1  }
0xd9: {  	v19 =	vor.u32 $0x1, v18  }
0xda: {  	v16 =	vadd.f32 v16, v17;
	_ =	sdelay $0x1  }
0xdb: {  	[tilespmem:$0x61C0] =	vst v16  }
0xdc: {  	v16 =	vld.idx.msk [tilespmem:v10+s8+$0x0], $0xffff  }
0xdd: {  	v17 =	vld.idx.msk [tilespmem:v19+s5+$0x0], $0xffff  }
0xde: {  	v18 =	vld.idx.msk [tilespmem:v18+s5+$0x0], $0xffff  }
0xdf: {  	v19 =	vld.idx.msk [tilespmem:v11+s8+$0x0], $0xffff  }
0xe0: {  	v20 =	vld.idx.msk [tilespmem:v21+s6+$0x0], $0xffff;
	_ =	sdelay $0x1  }
0xe1: {  	v21 =	vld [tilespmem:$0x60]  }
0xe2: {  	v16 =	vsub.f32 v16, v17;
	_ =	sdelay $0x1  }
0xe3: {  	v17 =	vsub.f32 v19, v18  }
0xe4: {  	[tilespmem:$0x6250] =	vst v20  }
0xe5: {  	v16 =	vmul.f32 v16, v16;
	v17 =	vmul.f32 v17, v17;
	v18 =	vshll.u32 v21, $0x1  }
0xe6: {  	v19 =	vor.u32 $0x1, v18  }
0xe7: {  	v16 =	vadd.f32 v16, v17;
	_ =	sdelay $0x1  }
0xe8: {  	[tilespmem:$0x61D0] =	vst v16  }
0xe9: {  	v17 =	vld.idx.msk [tilespmem:v18+s5+$0x0], $0xffff  }
0xea: {  	v18 =	vld.idx.msk [tilespmem:v19+s5+$0x0], $0xffff  }
0xeb: {  	v19 =	vld.idx.msk [tilespmem:v12+s8+$0x0], $0xffff  }
0xec: {  	v20 =	vld.idx.msk [tilespmem:v13+s8+$0x0], $0xffff  }
0xed: {  	v21 =	vld.idx.msk [tilespmem:v21+s6+$0x0], $0xffff;
	_ =	sdelay $0x1  }
0xee: {  	v16 =	vld [tilespmem:$0x70];
	_ =	sdelay $0x1  }
0xef: {  	v18 =	vsub.f32 v19, v18  }
0xf0: {  	v17 =	vsub.f32 v20, v17  }
0xf1: {  	[tilespmem:$0x6260] =	vst v21  }
0xf2: {  	v19 =	vmul.f32 v18, v18;
	v17 =	vmul.f32 v17, v17;
	v20 =	vshll.u32 v16, $0x1  }
.Ltmp1:
0xf3: {  	v18 =	vor.u32 $0x1, v20;
	(pc) =	sbr.rel @p0 .LBB2_1-.Ltmp1, $3  }
0xf4: {  	v17 =	vadd.f32 v19, v17;
	_ =	sdelay $0x1  }
0xf5: {  	[tilespmem:$0x61E0] =	vst v17  }
0xf6: {  	v17 =	vld.idx.msk [tilespmem:v20+s5+$0x0], $0xffff  }
.LBB2_2:
0xf7: {  	_ =	sdelay $0x3  }
0xf8: {  	v0 =	vld.idx.msk [tilespmem:v18+s5+$0x0], $0xffff  }
0xf9: {  	v1 =	vld.idx.msk [tilespmem:v15+s8+$0x0], $0xffff  }
0xfa: {  	v2 =	vld.idx.msk [tilespmem:v14+s8+$0x0], $0xffff;
	_ =	sdelay $0x4  }
0xfb: {  	v3 =	vld.idx.msk [tilespmem:v16+s6+$0x0], $0xffff;
	v0 =	vsub.f32 v1, v0;
	v63 =	vsub.f32 v2, v17;
	_ =	sdelay $0x1  }
0xfc: {  	v1 =	vmul.f32 v63, v63;
	v0 =	vmul.f32 v0, v0;
	_ =	sdelay $0x1  }
0xfd: {  	v0 =	vadd.f32 v0, v1  }
0xfe: {  	[tilespmem:$0x6270] =	vst v3  }
0xff: {  	[tilespmem:$0x61F0] =	vst v0  }
0x100: {  	[hbm4b:s15+s2] =	stream.linear.scatter [tilespmem:s17], [sflag:$0x5], $0x80, $0x38;
	[tilespmem:$0x6280] =	vst v63  }
0x101: {  	_ =	swait.ge [sflag:s16], $0x80  }
0x102: {  	[sflag:s16] =	ssyncset.done $0x0  }
0x103: {  	[sflag:s16] =	ssyncadd.s32 $0xFFFFFF80  }
0x104: {  	[hbm4b:s14+s2] =	stream.linear.scatter [tilespmem:s18], [sflag:$0x5], $0x80, $0x38;
	[tilespmem:$0x6280] =	vst v63  }
0x105: {  	_ =	swait.ge [sflag:s16], $0x80  }
0x106: {  	[sflag:s16] =	ssyncset.done $0x0  }
0x107: {  	[sflag:s16] =	ssyncadd.s32 $0xFFFFFF80  }
0x108: {  	_ =	sfence.sel $0x180000  }
0x109: {  	[bflag:$0x0] =	sbarrier.arrive $0xFFFF  }
0x10a: {  	p0 =	sne.s32 s0, $0x0;
	_ =	strace $0x90000047  }
0x10b: {  	s0 =	sadd.s32 @!p0 $0x100000, s1;
	[bflag:$0x2] =	sbarrier.arrive $0xFFFF  }
0x10c: {  	[sflag:s0] =	ssyncadd.tile.s32 @!p0 $0x1;
	_ =	shalt  }
.Lfunc_end2:
_tile_overlayer_lowered:
.L_overlay_start_2:
0x10d: {  	(tag) =	ssettag $0x2  }
0x10e: {  	s0 =	rddreg [dreg:$0x0];
	s2 =	stileid.u32  }
0x10f: {  	s1 =	rddreg [dreg:$0x1];
	p0 =	sne.s32 s2, $0x0  }
0x110: {  	s3 =	rddreg [dreg:$0x2];
	[bflag:$0x3] =	sbarrier.arrive $0xFFFF;
	s2 =	simm.s32 @!p0 $0x1C05  }
0x111: {  	[timem:s3], [sflag:s2] =	dma.local @!p0 [hbm:s0], s1  }
0x112: {  	s0 =	simm.s32 @!p0 $0x5  }
0x113: {  	_ =	swait.ge @!p0 [sflag:s0], s1  }
0x114: {  	s1 =	ssub.s32 @!p0 $0x0, s1;
	[sflag:s0] =	ssyncset.done @!p0 $0x0  }
0x115: {  	[sflag:s0] =	ssyncadd.s32 @!p0 s1  }
0x116: {  	[bflag:$0x3] =	sbarrier.arrive $0xFFFF  }
0x117: {  	_ =	shalt  }

</sc_bundles>
